<compile_context>
chip_gen: v7x
topology: tpu7x:2x2x1
jax: 0.10.2.dev20260603
libtpu: 0.0.44.dev20260713+nightly
codegen_flags: <defaults>
</compile_context>

<pallas_src>
import functools

import jax
import jax.numpy as jnp
from jax import lax
from jax.experimental import pallas as pl
from jax.experimental.pallas import tpu as pltpu
from jax.experimental.pallas import tpu_sc as plsc

NUM_SPLITS = 8
K = 8192
D = 64
BLK = 512
BATCH = 4096

_info = plsc.get_sparse_core_info()
_NC, _NS = _info.num_cores, _info.num_subcores
NW = _NC * _NS
ROWS_W = BATCH * NUM_SPLITS // NW
BINS_W = K // (NW // NUM_SPLITS)



def _codes_body(x_ref, w_ref, b_ref, cbt_ref, codes_ref):
    flat = jnp.dot(x_ref[...], w_ref[0], preferred_element_type=jnp.float32) + b_ref[0]
    Et = cbt_ref[0]
    mm = jnp.dot(flat, Et, preferred_element_type=jnp.float32)
    rn = jnp.sum(flat * flat, axis=1, keepdims=True)
    en = jnp.sum(Et * Et, axis=0, keepdims=True)
    d = (rn + en) - 2.0 * mm
    dmin = jnp.min(d, axis=1, keepdims=True)
    iota = lax.broadcasted_iota(jnp.int32, (BLK, K), 1)
    idx = jnp.min(jnp.where(d == dmin, iota, K), axis=1, keepdims=True)
    codes_ref[...] = idx.astype(jnp.int32).reshape(1, BLK, 1)


def _compute_codes(x, W_enc, b_enc, cb_t):
    w_s = W_enc.reshape(512, NUM_SPLITS, D).transpose(1, 0, 2)
    b_s = b_enc.reshape(NUM_SPLITS, 1, D)
    return pl.pallas_call(
        _codes_body,
        grid=(BATCH // BLK, NUM_SPLITS),
        in_specs=[
            pl.BlockSpec((BLK, 512), lambda i, s: (i, 0)),
            pl.BlockSpec((1, 512, D), lambda i, s: (s, 0, 0)),
            pl.BlockSpec((1, 1, D), lambda i, s: (s, 0, 0)),
            pl.BlockSpec((1, D, K), lambda i, s: (s, 0, 0)),
        ],
        out_specs=pl.BlockSpec((1, BLK, 1), lambda i, s: (s, i, 0)),
        out_shape=jax.ShapeDtypeStruct((NUM_SPLITS, BATCH, 1), jnp.int32),
    )(x, w_s, b_s, cb_t)



@functools.partial(
    pl.kernel,
    mesh=plsc.VectorSubcoreMesh(core_axis_name="c", subcore_axis_name="s"),
    compiler_params=pltpu.CompilerParams(needs_layout_passes=False),
    out_type=[
        jax.ShapeDtypeStruct((BATCH * NUM_SPLITS, 128), jnp.float32),
        jax.ShapeDtypeStruct((NW, BINS_W), jnp.float32),
    ],
    scratch_types=[
        pltpu.VMEM((8, 128), jnp.int32),
        pltpu.VMEM((4, 128, 128), jnp.float32),
        pltpu.VMEM((BATCH,), jnp.int32),
        pltpu.VMEM((16 * BINS_W,), jnp.float32),
        pltpu.VMEM((BINS_W,), jnp.float32),
        pltpu.SemaphoreType.DMA,
    ],
)
def _sc_gather_hist(table_hbm, cflat_hbm, codesT_hbm, q_hbm, hist_hbm,
                    idx_v, rows_v, sc_v, tab_v, cnt_v, sem):
    wid = lax.axis_index("s") * _NC + lax.axis_index("c")
    base = wid * ROWS_W

    pltpu.sync_copy(cflat_hbm.at[pl.ds(wid * 8, 8)], idx_v)
    offs = (lax.iota(jnp.int32, 16) % NUM_SPLITS) * K
    for j in range(8):
        for i in range(8):
            idx_v[j, pl.ds(i * 16, 16)] = idx_v[j, pl.ds(i * 16, 16)] + offs
    for r in range(2):
        copies = [
            pltpu.async_copy(table_hbm.at[idx_v.at[4 * r + j]], rows_v.at[j], sem)
            for j in range(4)
        ]
        for c in copies:
            c.wait()
        for j in range(4):
            pltpu.sync_copy(rows_v.at[j],
                            q_hbm.at[pl.ds(base + (4 * r + j) * 128, 128)])

    s_id = wid // (NW // NUM_SPLITS)
    lo = (wid % (NW // NUM_SPLITS)) * BINS_W
    pltpu.sync_copy(codesT_hbm.at[s_id], sc_v)
    zeros = jnp.zeros((16,), jnp.float32)

    def zbody(j, carry):
        tab_v[pl.ds(j * 16, 16)] = zeros
        return carry

    lax.fori_loop(0, 16 * BINS_W // 16, zbody, 0)

    lane_off = lax.iota(jnp.int32, 16) * BINS_W
    ones = jnp.ones((16,), jnp.float32)

    def cbody(j, carry):
        v = sc_v[pl.ds(j * 16, 16)]
        col = jnp.minimum(jnp.maximum(v - lo, 0), BINS_W - 1)
        m = (v >= lo) & (v < lo + BINS_W)
        plsc.addupdate_scatter(tab_v, [lane_off + col], ones, mask=m)
        return carry

    lax.fori_loop(0, BATCH // 16, cbody, 0)

    def rbody(j, carry):
        acc = tab_v[pl.ds(j * 16, 16)]
        for r in range(1, 16):
            acc = acc + tab_v[pl.ds(r * BINS_W + j * 16, 16)]
        cnt_v[pl.ds(j * 16, 16)] = acc
        return carry

    lax.fori_loop(0, BINS_W // 16, rbody, 0)
    pltpu.sync_copy(cnt_v, hist_hbm.at[wid])



def _dec_body(q_ref, w_ref, b_ref, counts_ref, xr_ref, perp_ref):
    xr_ref[...] = jnp.dot(q_ref[...], w_ref[...], preferred_element_type=jnp.float32) + b_ref[...]

    @pl.when(pl.program_id(0) == 0)
    def _():
        p = counts_ref[...] / float(BATCH)
        ent = jnp.sum(p * jnp.log(p + 1e-10), axis=1, keepdims=True)
        perp_ref[...] = jnp.broadcast_to(jnp.mean(jnp.exp(-ent)), (1, 128))


def _decode(quantized_all, W_dec, b_dec, counts):
    return pl.pallas_call(
        _dec_body,
        grid=(BATCH // BLK,),
        in_specs=[
            pl.BlockSpec((BLK, 512), lambda i: (i, 0)),
            pl.BlockSpec((512, 512), lambda i: (0, 0)),
            pl.BlockSpec((1, 512), lambda i: (0, 0)),
            pl.BlockSpec((NUM_SPLITS, K), lambda i: (0, 0)),
        ],
        out_specs=[
            pl.BlockSpec((BLK, 512), lambda i: (i, 0)),
            pl.BlockSpec((1, 128), lambda i: (0, 0)),
        ],
        out_shape=[
            jax.ShapeDtypeStruct((BATCH, 512), jnp.float32),
            jax.ShapeDtypeStruct((1, 128), jnp.float32),
        ],
    )(quantized_all, W_dec, b_dec.reshape(1, -1), counts)



def kernel(x, W_enc, b_enc, codebooks, W_dec, b_dec):
    cb_t = codebooks.transpose(0, 2, 1)
    codesT = _compute_codes(x, W_enc, b_enc, cb_t).reshape(NUM_SPLITS, BATCH)
    codes = codesT.T

    table = jnp.pad(codebooks.reshape(NUM_SPLITS * K, D), ((0, 0), (0, 128 - D)))
    cflat = codes.reshape(NW * 8, 128)
    qrows, hist = _sc_gather_hist(table, cflat, codesT)
    quantized_all = qrows[:, :D].reshape(BATCH, NUM_SPLITS * D)
    counts = hist.reshape(NUM_SPLITS, K)

    x_recon, perp = _decode(quantized_all, W_dec, b_dec, counts)
    return x_recon, quantized_all, codes, perp.reshape(-1)[0]

# --- scband reference (transcript-rebuilt; emitter-appended) ---
"""Pipeline reference for scband-multi-dim-vqvae-17738214933195 (READ-ONLY COPY).

The authoritative reference and input builder live on the scoring server;
editing this copy changes nothing except your own understanding.
"""

import jax, jax.numpy as jnp
import numpy as np

INPUT_DIM = 512
NUM_EMB = 8192
EMB_DIM = 64
NUM_SPLITS = 8
BATCH = 4096


def setup_inputs(seed: int = 0) -> dict:
    key = jax.random.key(seed)
    ks = jax.random.split(key, 7)
    x = jax.random.normal(ks[0], (BATCH, INPUT_DIM), dtype=jnp.float32)
    lat = EMB_DIM * NUM_SPLITS
    # encoder Linear(input_dim -> emb_dim*num_splits); stored as [in, out]
    W_enc = jax.random.normal(ks[1], (INPUT_DIM, lat), dtype=jnp.float32) * (1.0 / np.sqrt(INPUT_DIM))
    b_enc = jnp.zeros((lat,), dtype=jnp.float32)
    # decoder Linear(emb_dim*num_splits -> input_dim)
    W_dec = jax.random.normal(ks[2], (lat, INPUT_DIM), dtype=jnp.float32) * (1.0 / np.sqrt(lat))
    b_dec = jnp.zeros((INPUT_DIM,), dtype=jnp.float32)
    # per-split codebooks, uniform(-1/K, 1/K) like torch init
    codebooks = jax.random.uniform(ks[3], (NUM_SPLITS, NUM_EMB, EMB_DIM), dtype=jnp.float32,
                                   minval=-1.0 / NUM_EMB, maxval=1.0 / NUM_EMB)
    return {"x": x, "W_enc": W_enc, "b_enc": b_enc, "codebooks": codebooks,
            "W_dec": W_dec, "b_dec": b_dec}


def reference(x, W_enc, b_enc, codebooks, W_dec, b_dec):
    z = x @ W_enc + b_enc
    num_splits = codebooks.shape[0]
    K = codebooks.shape[1]
    splits = jnp.split(z, num_splits, axis=1)
    quant_list = []
    code_list = []
    perps = []
    for i in range(num_splits):
        flat = splits[i]  # [B, emb_dim]
        E = codebooks[i]  # [K, emb_dim]
        distances = (jnp.sum(flat * flat, axis=1, keepdims=True)
                     + jnp.sum(E * E, axis=1)
                     - 2.0 * flat @ E.T)
        idx = jnp.argmin(distances, axis=1)  # [B]
        quantized = jnp.take(E, idx, axis=0)  # [B, emb_dim]
        avg_probs = jnp.bincount(idx, length=K).astype(jnp.float32) / flat.shape[0]
        perplexity = jnp.exp(-jnp.sum(avg_probs * jnp.log(avg_probs + 1e-10)))
        quant_list.append(quantized)
        code_list.append(idx)
        perps.append(perplexity)
    quantized_all = jnp.concatenate(quant_list, axis=1)
    x_recon = quantized_all @ W_dec + b_dec
    codes = jnp.stack(code_list).T  # [B, num_splits]
    avg_perplexity = jnp.mean(jnp.stack(perps))
    return x_recon, quantized_all, codes, avg_perplexity

if __name__ == "__main__":
    import jax
    _d = setup_inputs()
    print(jax.jit(kernel)(*tuple(_d.values())))

</pallas_src>

<mosaic_0001>
#map = affine_map<(d0, d1) -> (0, 0)>
module attributes {stable_mosaic.version = 14 : i64} {
  func.func @_sc_gather_hist(%arg0: i32, %arg1: i32, %arg2: memref<65536x128xf32, #tpu.memory_space<hbm>>, %arg3: memref<256x128xi32, #tpu.memory_space<hbm>>, %arg4: memref<8x4096xi32, #tpu.memory_space<hbm>>, %arg5: memref<32768x128xf32, #tpu.memory_space<hbm>>, %arg6: memref<32x2048xf32, #tpu.memory_space<hbm>>, %arg7: memref<8x128xi32, #tpu.memory_space<vmem>>, %arg8: memref<4x128x128xf32, #tpu.memory_space<vmem>>, %arg9: memref<4096xi32, #tpu.memory_space<vmem>>, %arg10: memref<32768xf32, #tpu.memory_space<vmem>>, %arg11: memref<2048xf32, #tpu.memory_space<vmem>>, %arg12: memref<!tpu.dma_semaphore, #tpu.memory_space<semaphore_mem>>) attributes {dimension_semantics = [#tpu.dimension_semantics<core_parallel>, #tpu.dimension_semantics<subcore_parallel>], iteration_bounds = array<i64: 2, 16>, scalar_prefetch = 0 : i64, scratch_operands = 6 : i64, tpu.core_type = #tpu.core_type<sc_vector_subcore>, window_params = [{transform_indices = #map}, {transform_indices = #map}, {transform_indices = #map}, {transform_indices = #map}, {transform_indices = #map}]} {
    %mul3A = arith.constant 2 : i32
    %mul3A_0 = arith.muli %arg1, %mul3A : i32
    %add3A = arith.addi %mul3A_0, %arg0 : i32
    %mul3A_1 = arith.constant 1024 : i32
    %mul3A_2 = arith.muli %add3A, %mul3A_1 : i32
    %mul3A_3 = arith.constant 8 : i32
    %mul3A_4 = arith.muli %add3A, %mul3A_3 : i32
    "tpu.region"() ({
      %run_scoped3A_873 = tpu.sem_alloc : memref<!tpu.dma_semaphore, #tpu.memory_space<semaphore_mem>>
      %dma_start3A_874 = arith.constant 0 : i32
      %dma_start3A_875 = tpu.memref_slice %arg3[%mul3A_4, %dma_start3A_874] : memref<256x128xi32, #tpu.memory_space<hbm>> -> memref<8x128xi32, #tpu.memory_space<hbm>>
      %dma_start3A_876 = arith.constant 0 : i32
      %dma_start3A_877 = tpu.memref_slice %arg3[%mul3A_4, %dma_start3A_876] : memref<256x128xi32, #tpu.memory_space<hbm>> -> memref<8x128xi32, #tpu.memory_space<hbm>>
      tpu.enqueue_dma source(%dma_start3A_877 : memref<8x128xi32, #tpu.memory_space<hbm>>) target(%arg7 : memref<8x128xi32, #tpu.memory_space<vmem>>) target_semaphore(%run_scoped3A_873 : memref<!tpu.dma_semaphore, #tpu.memory_space<semaphore_mem>>)
      %dma_wait3A_878 = arith.constant 0 : i32
      %dma_wait3A_879 = tpu.memref_slice %arg3[%mul3A_4, %dma_wait3A_878] : memref<256x128xi32, #tpu.memory_space<hbm>> -> memref<8x128xi32, #tpu.memory_space<hbm>>
      %dma_wait3A_880 = arith.constant 0 : i32
      %dma_wait3A_881 = tpu.memref_slice %arg3[%mul3A_4, %dma_wait3A_880] : memref<256x128xi32, #tpu.memory_space<hbm>> -> memref<8x128xi32, #tpu.memory_space<hbm>>
      tpu.wait_dma2 semaphore(%run_scoped3A_873 : memref<!tpu.dma_semaphore, #tpu.memory_space<semaphore_mem>>) src(%dma_wait3A_881 : memref<8x128xi32, #tpu.memory_space<hbm>>) dst(%arg7 : memref<8x128xi32, #tpu.memory_space<vmem>>)
      tpu.yield
    }) : () -> ()
    %iota3A = tpu.iota {dimensions = array<i32: 0>} : vector<16xi32>
    %jit3A = arith.constant 8 : i32
    %eq3A = arith.constant 0 : i32
    %eq3A_5 = arith.cmpi eq, %jit3A, %eq3A : i32
    %jit3A_6 = arith.constant 1 : i32
    %select_n3A = arith.select %eq3A_5, %jit3A_6, %jit3A : i32
    %rem3A = vector.broadcast %select_n3A : i32 to vector<16xi32>
    %rem3A_7 = arith.remsi %iota3A, %rem3A : vector<16xi32>
    %ne3A = arith.constant 0 : i32
    %ne3A_8 = vector.broadcast %ne3A : i32 to vector<16xi32>
    %ne3A_9 = arith.cmpi ne, %rem3A_7, %ne3A_8 : vector<16xi32>
    %lt3A = arith.constant 0 : i32
    %lt3A_10 = vector.broadcast %lt3A : i32 to vector<16xi32>
    %lt3A_11 = arith.cmpi slt, %rem3A_7, %lt3A_10 : vector<16xi32>
    %lt3A_12 = arith.constant 0 : i32
    %lt3A_13 = arith.cmpi slt, %select_n3A, %lt3A_12 : i32
    %ne3A_14 = vector.broadcast %lt3A_13 : i1 to vector<16xi1>
    %ne3A_15 = vector.broadcast %ne3A_14 : vector<16xi1> to vector<16xi1>
    %ne3A_16 = arith.xori %lt3A_11, %ne3A_15 : vector<16xi1>
    %and3A = arith.andi %ne3A_16, %ne3A_9 : vector<16xi1>
    %add3A_17 = vector.broadcast %select_n3A : i32 to vector<16xi32>
    %add3A_18 = arith.addi %rem3A_7, %add3A_17 : vector<16xi32>
    %select_n3A_19 = arith.select %and3A, %add3A_18, %rem3A_7 : vector<16xi1>, vector<16xi32>
    %mul3A_20 = arith.constant 8192 : i32
    %mul3A_21 = vector.broadcast %mul3A_20 : i32 to vector<16xi32>
    %mul3A_22 = arith.muli %select_n3A_19, %mul3A_21 : vector<16xi32>
    %get3A = arith.constant 0 : i32
    %get3A_23 = arith.index_cast %get3A : i32 to index
    %get3A_24 = arith.constant 0 : index
    %get3A_25 = tpu.vector_load %arg7[%get3A_23, %get3A_24] {strides = array<i32>} : memref<8x128xi32, #tpu.memory_space<vmem>>, vector<16xi32>,
    %add3A_26 = arith.addi %get3A_25, %mul3A_22 : vector<16xi32>
    %swap3A = arith.constant 0 : i32
    %swap3A_27 = arith.index_cast %swap3A : i32 to index
    %swap3A_28 = arith.constant 0 : index
    %swap3A_29 = tpu.vector_load %arg7[%swap3A_27, %swap3A_28] {strides = array<i32>} : memref<8x128xi32, #tpu.memory_space<vmem>>, vector<16xi32>,
    tpu.vector_store %arg7[%swap3A_27, %swap3A_28], %add3A_26 {strides = array<i32>} : memref<8x128xi32, #tpu.memory_space<vmem>>, vector<16xi32>,
    %get3A_30 = arith.constant 0 : i32
    %get3A_31 = arith.index_cast %get3A_30 : i32 to index
    %get3A_32 = arith.constant 16 : index
    %get3A_33 = tpu.vector_load %arg7[%get3A_31, %get3A_32] {strides = array<i32>} : memref<8x128xi32, #tpu.memory_space<vmem>>, vector<16xi32>,
    %add3A_34 = arith.addi %get3A_33, %mul3A_22 : vector<16xi32>
    %swap3A_35 = arith.constant 0 : i32
    %swap3A_36 = arith.index_cast %swap3A_35 : i32 to index
    %swap3A_37 = arith.constant 16 : index
    %swap3A_38 = tpu.vector_load %arg7[%swap3A_36, %swap3A_37] {strides = array<i32>} : memref<8x128xi32, #tpu.memory_space<vmem>>, vector<16xi32>,
    tpu.vector_store %arg7[%swap3A_36, %swap3A_37], %add3A_34 {strides = array<i32>} : memref<8x128xi32, #tpu.memory_space<vmem>>, vector<16xi32>,
    %get3A_39 = arith.constant 0 : i32
    %get3A_40 = arith.index_cast %get3A_39 : i32 to index
    %get3A_41 = arith.constant 32 : index
    %get3A_42 = tpu.vector_load %arg7[%get3A_40, %get3A_41] {strides = array<i32>} : memref<8x128xi32, #tpu.memory_space<vmem>>, vector<16xi32>,
    %add3A_43 = arith.addi %get3A_42, %mul3A_22 : vector<16xi32>
    %swap3A_44 = arith.constant 0 : i32
    %swap3A_45 = arith.index_cast %swap3A_44 : i32 to index
    %swap3A_46 = arith.constant 32 : index
    %swap3A_47 = tpu.vector_load %arg7[%swap3A_45, %swap3A_46] {strides = array<i32>} : memref<8x128xi32, #tpu.memory_space<vmem>>, vector<16xi32>,
    tpu.vector_store %arg7[%swap3A_45, %swap3A_46], %add3A_43 {strides = array<i32>} : memref<8x128xi32, #tpu.memory_space<vmem>>, vector<16xi32>,
    %get3A_48 = arith.constant 0 : i32
    %get3A_49 = arith.index_cast %get3A_48 : i32 to index
    %get3A_50 = arith.constant 48 : index
    %get3A_51 = tpu.vector_load %arg7[%get3A_49, %get3A_50] {strides = array<i32>} : memref<8x128xi32, #tpu.memory_space<vmem>>, vector<16xi32>,
    %add3A_52 = arith.addi %get3A_51, %mul3A_22 : vector<16xi32>
    %swap3A_53 = arith.constant 0 : i32
    %swap3A_54 = arith.index_cast %swap3A_53 : i32 to index
    %swap3A_55 = arith.constant 48 : index
    %swap3A_56 = tpu.vector_load %arg7[%swap3A_54, %swap3A_55] {strides = array<i32>} : memref<8x128xi32, #tpu.memory_space<vmem>>, vector<16xi32>,
    tpu.vector_store %arg7[%swap3A_54, %swap3A_55], %add3A_52 {strides = array<i32>} : memref<8x128xi32, #tpu.memory_space<vmem>>, vector<16xi32>,
    %get3A_57 = arith.constant 0 : i32
    %get3A_58 = arith.index_cast %get3A_57 : i32 to index
    %get3A_59 = arith.constant 64 : index
    %get3A_60 = tpu.vector_load %arg7[%get3A_58, %get3A_59] {strides = array<i32>} : memref<8x128xi32, #tpu.memory_space<vmem>>, vector<16xi32>,
    %add3A_61 = arith.addi %get3A_60, %mul3A_22 : vector<16xi32>
    %swap3A_62 = arith.constant 0 : i32
    %swap3A_63 = arith.index_cast %swap3A_62 : i32 to index
    %swap3A_64 = arith.constant 64 : index
    %swap3A_65 = tpu.vector_load %arg7[%swap3A_63, %swap3A_64] {strides = array<i32>} : memref<8x128xi32, #tpu.memory_space<vmem>>, vector<16xi32>,
    tpu.vector_store %arg7[%swap3A_63, %swap3A_64], %add3A_61 {strides = array<i32>} : memref<8x128xi32, #tpu.memory_space<vmem>>, vector<16xi32>,
    %get3A_66 = arith.constant 0 : i32
    %get3A_67 = arith.index_cast %get3A_66 : i32 to index
    %get3A_68 = arith.constant 80 : index
    %get3A_69 = tpu.vector_load %arg7[%get3A_67, %get3A_68] {strides = array<i32>} : memref<8x128xi32, #tpu.memory_space<vmem>>, vector<16xi32>,
    %add3A_70 = arith.addi %get3A_69, %mul3A_22 : vector<16xi32>
    %swap3A_71 = arith.constant 0 : i32
    %swap3A_72 = arith.index_cast %swap3A_71 : i32 to index
    %swap3A_73 = arith.constant 80 : index
    %swap3A_74 = tpu.vector_load %arg7[%swap3A_72, %swap3A_73] {strides = array<i32>} : memref<8x128xi32, #tpu.memory_space<vmem>>, vector<16xi32>,
    tpu.vector_store %arg7[%swap3A_72, %swap3A_73], %add3A_70 {strides = array<i32>} : memref<8x128xi32, #tpu.memory_space<vmem>>, vector<16xi32>,
    %get3A_75 = arith.constant 0 : i32
    %get3A_76 = arith.index_cast %get3A_75 : i32 to index
    %get3A_77 = arith.constant 96 : index
    %get3A_78 = tpu.vector_load %arg7[%get3A_76, %get3A_77] {strides = array<i32>} : memref<8x128xi32, #tpu.memory_space<vmem>>, vector<16xi32>,
    %add3A_79 = arith.addi %get3A_78, %mul3A_22 : vector<16xi32>
    %swap3A_80 = arith.constant 0 : i32
    %swap3A_81 = arith.index_cast %swap3A_80 : i32 to index
    %swap3A_82 = arith.constant 96 : index
    %swap3A_83 = tpu.vector_load %arg7[%swap3A_81, %swap3A_82] {strides = array<i32>} : memref<8x128xi32, #tpu.memory_space<vmem>>, vector<16xi32>,
    tpu.vector_store %arg7[%swap3A_81, %swap3A_82], %add3A_79 {strides = array<i32>} : memref<8x128xi32, #tpu.memory_space<vmem>>, vector<16xi32>,
    %get3A_84 = arith.constant 0 : i32
    %get3A_85 = arith.index_cast %get3A_84 : i32 to index
    %get3A_86 = arith.constant 112 : index
    %get3A_87 = tpu.vector_load %arg7[%get3A_85, %get3A_86] {strides = array<i32>} : memref<8x128xi32, #tpu.memory_space<vmem>>, vector<16xi32>,
    %add3A_88 = arith.addi %get3A_87, %mul3A_22 : vector<16xi32>
    %swap3A_89 = arith.constant 0 : i32
    %swap3A_90 = arith.index_cast %swap3A_89 : i32 to index
    %swap3A_91 = arith.constant 112 : index
    %swap3A_92 = tpu.vector_load %arg7[%swap3A_90, %swap3A_91] {strides = array<i32>} : memref<8x128xi32, #tpu.memory_space<vmem>>, vector<16xi32>,
    tpu.vector_store %arg7[%swap3A_90, %swap3A_91], %add3A_88 {strides = array<i32>} : memref<8x128xi32, #tpu.memory_space<vmem>>, vector<16xi32>,
    %get3A_93 = arith.constant 1 : i32
    %get3A_94 = arith.index_cast %get3A_93 : i32 to index
    %get3A_95 = arith.constant 0 : index
    %get3A_96 = tpu.vector_load %arg7[%get3A_94, %get3A_95] {strides = array<i32>} : memref<8x128xi32, #tpu.memory_space<vmem>>, vector<16xi32>,
    %add3A_97 = arith.addi %get3A_96, %mul3A_22 : vector<16xi32>
    %swap3A_98 = arith.constant 1 : i32
    %swap3A_99 = arith.index_cast %swap3A_98 : i32 to index
    %swap3A_100 = arith.constant 0 : index
    %swap3A_101 = tpu.vector_load %arg7[%swap3A_99, %swap3A_100] {strides = array<i32>} : memref<8x128xi32, #tpu.memory_space<vmem>>, vector<16xi32>,
    tpu.vector_store %arg7[%swap3A_99, %swap3A_100], %add3A_97 {strides = array<i32>} : memref<8x128xi32, #tpu.memory_space<vmem>>, vector<16xi32>,
    %get3A_102 = arith.constant 1 : i32
    %get3A_103 = arith.index_cast %get3A_102 : i32 to index
    %get3A_104 = arith.constant 16 : index
    %get3A_105 = tpu.vector_load %arg7[%get3A_103, %get3A_104] {strides = array<i32>} : memref<8x128xi32, #tpu.memory_space<vmem>>, vector<16xi32>,
    %add3A_106 = arith.addi %get3A_105, %mul3A_22 : vector<16xi32>
    %swap3A_107 = arith.constant 1 : i32
    %swap3A_108 = arith.index_cast %swap3A_107 : i32 to index
    %swap3A_109 = arith.constant 16 : index
    %swap3A_110 = tpu.vector_load %arg7[%swap3A_108, %swap3A_109] {strides = array<i32>} : memref<8x128xi32, #tpu.memory_space<vmem>>, vector<16xi32>,
    tpu.vector_store %arg7[%swap3A_108, %swap3A_109], %add3A_106 {strides = array<i32>} : memref<8x128xi32, #tpu.memory_space<vmem>>, vector<16xi32>,
    %get3A_111 = arith.constant 1 : i32
    %get3A_112 = arith.index_cast %get3A_111 : i32 to index
    %get3A_113 = arith.constant 32 : index
    %get3A_114 = tpu.vector_load %arg7[%get3A_112, %get3A_113] {strides = array<i32>} : memref<8x128xi32, #tpu.memory_space<vmem>>, vector<16xi32>,
    %add3A_115 = arith.addi %get3A_114, %mul3A_22 : vector<16xi32>
    %swap3A_116 = arith.constant 1 : i32
    %swap3A_117 = arith.index_cast %swap3A_116 : i32 to index
    %swap3A_118 = arith.constant 32 : index
    %swap3A_119 = tpu.vector_load %arg7[%swap3A_117, %swap3A_118] {strides = array<i32>} : memref<8x128xi32, #tpu.memory_space<vmem>>, vector<16xi32>,
    tpu.vector_store %arg7[%swap3A_117, %swap3A_118], %add3A_115 {strides = array<i32>} : memref<8x128xi32, #tpu.memory_space<vmem>>, vector<16xi32>,
    %get3A_120 = arith.constant 1 : i32
    %get3A_121 = arith.index_cast %get3A_120 : i32 to index
    %get3A_122 = arith.constant 48 : index
    %get3A_123 = tpu.vector_load %arg7[%get3A_121, %get3A_122] {strides = array<i32>} : memref<8x128xi32, #tpu.memory_space<vmem>>, vector<16xi32>,
    %add3A_124 = arith.addi %get3A_123, %mul3A_22 : vector<16xi32>
    %swap3A_125 = arith.constant 1 : i32
    %swap3A_126 = arith.index_cast %swap3A_125 : i32 to index
    %swap3A_127 = arith.constant 48 : index
    %swap3A_128 = tpu.vector_load %arg7[%swap3A_126, %swap3A_127] {strides = array<i32>} : memref<8x128xi32, #tpu.memory_space<vmem>>, vector<16xi32>,
    tpu.vector_store %arg7[%swap3A_126, %swap3A_127], %add3A_124 {strides = array<i32>} : memref<8x128xi32, #tpu.memory_space<vmem>>, vector<16xi32>,
    %get3A_129 = arith.constant 1 : i32
    %get3A_130 = arith.index_cast %get3A_129 : i32 to index
    %get3A_131 = arith.constant 64 : index
    %get3A_132 = tpu.vector_load %arg7[%get3A_130, %get3A_131] {strides = array<i32>} : memref<8x128xi32, #tpu.memory_space<vmem>>, vector<16xi32>,
    %add3A_133 = arith.addi %get3A_132, %mul3A_22 : vector<16xi32>
    %swap3A_134 = arith.constant 1 : i32
    %swap3A_135 = arith.index_cast %swap3A_134 : i32 to index
    %swap3A_136 = arith.constant 64 : index
    %swap3A_137 = tpu.vector_load %arg7[%swap3A_135, %swap3A_136] {strides = array<i32>} : memref<8x128xi32, #tpu.memory_space<vmem>>, vector<16xi32>,
    tpu.vector_store %arg7[%swap3A_135, %swap3A_136], %add3A_133 {strides = array<i32>} : memref<8x128xi32, #tpu.memory_space<vmem>>, vector<16xi32>,
    %get3A_138 = arith.constant 1 : i32
    %get3A_139 = arith.index_cast %get3A_138 : i32 to index
    %get3A_140 = arith.constant 80 : index
    %get3A_141 = tpu.vector_load %arg7[%get3A_139, %get3A_140] {strides = array<i32>} : memref<8x128xi32, #tpu.memory_space<vmem>>, vector<16xi32>,
    %add3A_142 = arith.addi %get3A_141, %mul3A_22 : vector<16xi32>
    %swap3A_143 = arith.constant 1 : i32
    %swap3A_144 = arith.index_cast %swap3A_143 : i32 to index
    %swap3A_145 = arith.constant 80 : index
    %swap3A_146 = tpu.vector_load %arg7[%swap3A_144, %swap3A_145] {strides = array<i32>} : memref<8x128xi32, #tpu.memory_space<vmem>>, vector<16xi32>,
    tpu.vector_store %arg7[%swap3A_144, %swap3A_145], %add3A_142 {strides = array<i32>} : memref<8x128xi32, #tpu.memory_space<vmem>>, vector<16xi32>,
    %get3A_147 = arith.constant 1 : i32
    %get3A_148 = arith.index_cast %get3A_147 : i32 to index
    %get3A_149 = arith.constant 96 : index
    %get3A_150 = tpu.vector_load %arg7[%get3A_148, %get3A_149] {strides = array<i32>} : memref<8x128xi32, #tpu.memory_space<vmem>>, vector<16xi32>,
    %add3A_151 = arith.addi %get3A_150, %mul3A_22 : vector<16xi32>
    %swap3A_152 = arith.constant 1 : i32
    %swap3A_153 = arith.index_cast %swap3A_152 : i32 to index
    %swap3A_154 = arith.constant 96 : index
    %swap3A_155 = tpu.vector_load %arg7[%swap3A_153, %swap3A_154] {strides = array<i32>} : memref<8x128xi32, #tpu.memory_space<vmem>>, vector<16xi32>,
    tpu.vector_store %arg7[%swap3A_153, %swap3A_154], %add3A_151 {strides = array<i32>} : memref<8x128xi32, #tpu.memory_space<vmem>>, vector<16xi32>,
    %get3A_156 = arith.constant 1 : i32
    %get3A_157 = arith.index_cast %get3A_156 : i32 to index
    %get3A_158 = arith.constant 112 : index
    %get3A_159 = tpu.vector_load %arg7[%get3A_157, %get3A_158] {strides = array<i32>} : memref<8x128xi32, #tpu.memory_space<vmem>>, vector<16xi32>,
    %add3A_160 = arith.addi %get3A_159, %mul3A_22 : vector<16xi32>
    %swap3A_161 = arith.constant 1 : i32
    %swap3A_162 = arith.index_cast %swap3A_161 : i32 to index
    %swap3A_163 = arith.constant 112 : index
    %swap3A_164 = tpu.vector_load %arg7[%swap3A_162, %swap3A_163] {strides = array<i32>} : memref<8x128xi32, #tpu.memory_space<vmem>>, vector<16xi32>,
    tpu.vector_store %arg7[%swap3A_162, %swap3A_163], %add3A_160 {strides = array<i32>} : memref<8x128xi32, #tpu.memory_space<vmem>>, vector<16xi32>,
    %get3A_165 = arith.constant 2 : i32
    %get3A_166 = arith.index_cast %get3A_165 : i32 to index
    %get3A_167 = arith.constant 0 : index
    %get3A_168 = tpu.vector_load %arg7[%get3A_166, %get3A_167] {strides = array<i32>} : memref<8x128xi32, #tpu.memory_space<vmem>>, vector<16xi32>,
    %add3A_169 = arith.addi %get3A_168, %mul3A_22 : vector<16xi32>
    %swap3A_170 = arith.constant 2 : i32
    %swap3A_171 = arith.index_cast %swap3A_170 : i32 to index
    %swap3A_172 = arith.constant 0 : index
    %swap3A_173 = tpu.vector_load %arg7[%swap3A_171, %swap3A_172] {strides = array<i32>} : memref<8x128xi32, #tpu.memory_space<vmem>>, vector<16xi32>,
    tpu.vector_store %arg7[%swap3A_171, %swap3A_172], %add3A_169 {strides = array<i32>} : memref<8x128xi32, #tpu.memory_space<vmem>>, vector<16xi32>,
    %get3A_174 = arith.constant 2 : i32
    %get3A_175 = arith.index_cast %get3A_174 : i32 to index
    %get3A_176 = arith.constant 16 : index
    %get3A_177 = tpu.vector_load %arg7[%get3A_175, %get3A_176] {strides = array<i32>} : memref<8x128xi32, #tpu.memory_space<vmem>>, vector<16xi32>,
    %add3A_178 = arith.addi %get3A_177, %mul3A_22 : vector<16xi32>
    %swap3A_179 = arith.constant 2 : i32
    %swap3A_180 = arith.index_cast %swap3A_179 : i32 to index
    %swap3A_181 = arith.constant 16 : index
    %swap3A_182 = tpu.vector_load %arg7[%swap3A_180, %swap3A_181] {strides = array<i32>} : memref<8x128xi32, #tpu.memory_space<vmem>>, vector<16xi32>,
    tpu.vector_store %arg7[%swap3A_180, %swap3A_181], %add3A_178 {strides = array<i32>} : memref<8x128xi32, #tpu.memory_space<vmem>>, vector<16xi32>,
    %get3A_183 = arith.constant 2 : i32
    %get3A_184 = arith.index_cast %get3A_183 : i32 to index
    %get3A_185 = arith.constant 32 : index
    %get3A_186 = tpu.vector_load %arg7[%get3A_184, %get3A_185] {strides = array<i32>} : memref<8x128xi32, #tpu.memory_space<vmem>>, vector<16xi32>,
    %add3A_187 = arith.addi %get3A_186, %mul3A_22 : vector<16xi32>
    %swap3A_188 = arith.constant 2 : i32
    %swap3A_189 = arith.index_cast %swap3A_188 : i32 to index
    %swap3A_190 = arith.constant 32 : index
    %swap3A_191 = tpu.vector_load %arg7[%swap3A_189, %swap3A_190] {strides = array<i32>} : memref<8x128xi32, #tpu.memory_space<vmem>>, vector<16xi32>,
    tpu.vector_store %arg7[%swap3A_189, %swap3A_190], %add3A_187 {strides = array<i32>} : memref<8x128xi32, #tpu.memory_space<vmem>>, vector<16xi32>,
    %get3A_192 = arith.constant 2 : i32
    %get3A_193 = arith.index_cast %get3A_192 : i32 to index
    %get3A_194 = arith.constant 48 : index
    %get3A_195 = tpu.vector_load %arg7[%get3A_193, %get3A_194] {strides = array<i32>} : memref<8x128xi32, #tpu.memory_space<vmem>>, vector<16xi32>,
    %add3A_196 = arith.addi %get3A_195, %mul3A_22 : vector<16xi32>
    %swap3A_197 = arith.constant 2 : i32
    %swap3A_198 = arith.index_cast %swap3A_197 : i32 to index
    %swap3A_199 = arith.constant 48 : index
    %swap3A_200 = tpu.vector_load %arg7[%swap3A_198, %swap3A_199] {strides = array<i32>} : memref<8x128xi32, #tpu.memory_space<vmem>>, vector<16xi32>,
    tpu.vector_store %arg7[%swap3A_198, %swap3A_199], %add3A_196 {strides = array<i32>} : memref<8x128xi32, #tpu.memory_space<vmem>>, vector<16xi32>,
    %get3A_201 = arith.constant 2 : i32
    %get3A_202 = arith.index_cast %get3A_201 : i32 to index
    %get3A_203 = arith.constant 64 : index
    %get3A_204 = tpu.vector_load %arg7[%get3A_202, %get3A_203] {strides = array<i32>} : memref<8x128xi32, #tpu.memory_space<vmem>>, vector<16xi32>,
    %add3A_205 = arith.addi %get3A_204, %mul3A_22 : vector<16xi32>
    %swap3A_206 = arith.constant 2 : i32
    %swap3A_207 = arith.index_cast %swap3A_206 : i32 to index
    %swap3A_208 = arith.constant 64 : index
    %swap3A_209 = tpu.vector_load %arg7[%swap3A_207, %swap3A_208] {strides = array<i32>} : memref<8x128xi32, #tpu.memory_space<vmem>>, vector<16xi32>,
    tpu.vector_store %arg7[%swap3A_207, %swap3A_208], %add3A_205 {strides = array<i32>} : memref<8x128xi32, #tpu.memory_space<vmem>>, vector<16xi32>,
    %get3A_210 = arith.constant 2 : i32
    %get3A_211 = arith.index_cast %get3A_210 : i32 to index
    %get3A_212 = arith.constant 80 : index
    %get3A_213 = tpu.vector_load %arg7[%get3A_211, %get3A_212] {strides = array<i32>} : memref<8x128xi32, #tpu.memory_space<vmem>>, vector<16xi32>,
    %add3A_214 = arith.addi %get3A_213, %mul3A_22 : vector<16xi32>
    %swap3A_215 = arith.constant 2 : i32
    %swap3A_216 = arith.index_cast %swap3A_215 : i32 to index
    %swap3A_217 = arith.constant 80 : index
    %swap3A_218 = tpu.vector_load %arg7[%swap3A_216, %swap3A_217] {strides = array<i32>} : memref<8x128xi32, #tpu.memory_space<vmem>>, vector<16xi32>,
    tpu.vector_store %arg7[%swap3A_216, %swap3A_217], %add3A_214 {strides = array<i32>} : memref<8x128xi32, #tpu.memory_space<vmem>>, vector<16xi32>,
    %get3A_219 = arith.constant 2 : i32
    %get3A_220 = arith.index_cast %get3A_219 : i32 to index
    %get3A_221 = arith.constant 96 : index
    %get3A_222 = tpu.vector_load %arg7[%get3A_220, %get3A_221] {strides = array<i32>} : memref<8x128xi32, #tpu.memory_space<vmem>>, vector<16xi32>,
    %add3A_223 = arith.addi %get3A_222, %mul3A_22 : vector<16xi32>
    %swap3A_224 = arith.constant 2 : i32
    %swap3A_225 = arith.index_cast %swap3A_224 : i32 to index
    %swap3A_226 = arith.constant 96 : index
    %swap3A_227 = tpu.vector_load %arg7[%swap3A_225, %swap3A_226] {strides = array<i32>} : memref<8x128xi32, #tpu.memory_space<vmem>>, vector<16xi32>,
    tpu.vector_store %arg7[%swap3A_225, %swap3A_226], %add3A_223 {strides = array<i32>} : memref<8x128xi32, #tpu.memory_space<vmem>>, vector<16xi32>,
    %get3A_228 = arith.constant 2 : i32
    %get3A_229 = arith.index_cast %get3A_228 : i32 to index
    %get3A_230 = arith.constant 112 : index
    %get3A_231 = tpu.vector_load %arg7[%get3A_229, %get3A_230] {strides = array<i32>} : memref<8x128xi32, #tpu.memory_space<vmem>>, vector<16xi32>,
    %add3A_232 = arith.addi %get3A_231, %mul3A_22 : vector<16xi32>
    %swap3A_233 = arith.constant 2 : i32
    %swap3A_234 = arith.index_cast %swap3A_233 : i32 to index
    %swap3A_235 = arith.constant 112 : index
    %swap3A_236 = tpu.vector_load %arg7[%swap3A_234, %swap3A_235] {strides = array<i32>} : memref<8x128xi32, #tpu.memory_space<vmem>>, vector<16xi32>,
    tpu.vector_store %arg7[%swap3A_234, %swap3A_235], %add3A_232 {strides = array<i32>} : memref<8x128xi32, #tpu.memory_space<vmem>>, vector<16xi32>,
    %get3A_237 = arith.constant 3 : i32
    %get3A_238 = arith.index_cast %get3A_237 : i32 to index
    %get3A_239 = arith.constant 0 : index
    %get3A_240 = tpu.vector_load %arg7[%get3A_238, %get3A_239] {strides = array<i32>} : memref<8x128xi32, #tpu.memory_space<vmem>>, vector<16xi32>,
    %add3A_241 = arith.addi %get3A_240, %mul3A_22 : vector<16xi32>
    %swap3A_242 = arith.constant 3 : i32
    %swap3A_243 = arith.index_cast %swap3A_242 : i32 to index
    %swap3A_244 = arith.constant 0 : index
    %swap3A_245 = tpu.vector_load %arg7[%swap3A_243, %swap3A_244] {strides = array<i32>} : memref<8x128xi32, #tpu.memory_space<vmem>>, vector<16xi32>,
    tpu.vector_store %arg7[%swap3A_243, %swap3A_244], %add3A_241 {strides = array<i32>} : memref<8x128xi32, #tpu.memory_space<vmem>>, vector<16xi32>,
    %get3A_246 = arith.constant 3 : i32
    %get3A_247 = arith.index_cast %get3A_246 : i32 to index
    %get3A_248 = arith.constant 16 : index
    %get3A_249 = tpu.vector_load %arg7[%get3A_247, %get3A_248] {strides = array<i32>} : memref<8x128xi32, #tpu.memory_space<vmem>>, vector<16xi32>,
    %add3A_250 = arith.addi %get3A_249, %mul3A_22 : vector<16xi32>
    %swap3A_251 = arith.constant 3 : i32
    %swap3A_252 = arith.index_cast %swap3A_251 : i32 to index
    %swap3A_253 = arith.constant 16 : index
    %swap3A_254 = tpu.vector_load %arg7[%swap3A_252, %swap3A_253] {strides = array<i32>} : memref<8x128xi32, #tpu.memory_space<vmem>>, vector<16xi32>,
    tpu.vector_store %arg7[%swap3A_252, %swap3A_253], %add3A_250 {strides = array<i32>} : memref<8x128xi32, #tpu.memory_space<vmem>>, vector<16xi32>,
    %get3A_255 = arith.constant 3 : i32
    %get3A_256 = arith.index_cast %get3A_255 : i32 to index
    %get3A_257 = arith.constant 32 : index
    %get3A_258 = tpu.vector_load %arg7[%get3A_256, %get3A_257] {strides = array<i32>} : memref<8x128xi32, #tpu.memory_space<vmem>>, vector<16xi32>,
    %add3A_259 = arith.addi %get3A_258, %mul3A_22 : vector<16xi32>
    %swap3A_260 = arith.constant 3 : i32
    %swap3A_261 = arith.index_cast %swap3A_260 : i32 to index
    %swap3A_262 = arith.constant 32 : index
    %swap3A_263 = tpu.vector_load %arg7[%swap3A_261, %swap3A_262] {strides = array<i32>} : memref<8x128xi32, #tpu.memory_space<vmem>>, vector<16xi32>,
    tpu.vector_store %arg7[%swap3A_261, %swap3A_262], %add3A_259 {strides = array<i32>} : memref<8x128xi32, #tpu.memory_space<vmem>>, vector<16xi32>,
    %get3A_264 = arith.constant 3 : i32
    %get3A_265 = arith.index_cast %get3A_264 : i32 to index
    %get3A_266 = arith.constant 48 : index
    %get3A_267 = tpu.vector_load %arg7[%get3A_265, %get3A_266] {strides = array<i32>} : memref<8x128xi32, #tpu.memory_space<vmem>>, vector<16xi32>,
    %add3A_268 = arith.addi %get3A_267, %mul3A_22 : vector<16xi32>
    %swap3A_269 = arith.constant 3 : i32
    %swap3A_270 = arith.index_cast %swap3A_269 : i32 to index
    %swap3A_271 = arith.constant 48 : index
    %swap3A_272 = tpu.vector_load %arg7[%swap3A_270, %swap3A_271] {strides = array<i32>} : memref<8x128xi32, #tpu.memory_space<vmem>>, vector<16xi32>,
    tpu.vector_store %arg7[%swap3A_270, %swap3A_271], %add3A_268 {strides = array<i32>} : memref<8x128xi32, #tpu.memory_space<vmem>>, vector<16xi32>,
    %get3A_273 = arith.constant 3 : i32
    %get3A_274 = arith.index_cast %get3A_273 : i32 to index
    %get3A_275 = arith.constant 64 : index
    %get3A_276 = tpu.vector_load %arg7[%get3A_274, %get3A_275] {strides = array<i32>} : memref<8x128xi32, #tpu.memory_space<vmem>>, vector<16xi32>,
    %add3A_277 = arith.addi %get3A_276, %mul3A_22 : vector<16xi32>
    %swap3A_278 = arith.constant 3 : i32
    %swap3A_279 = arith.index_cast %swap3A_278 : i32 to index
    %swap3A_280 = arith.constant 64 : index
    %swap3A_281 = tpu.vector_load %arg7[%swap3A_279, %swap3A_280] {strides = array<i32>} : memref<8x128xi32, #tpu.memory_space<vmem>>, vector<16xi32>,
    tpu.vector_store %arg7[%swap3A_279, %swap3A_280], %add3A_277 {strides = array<i32>} : memref<8x128xi32, #tpu.memory_space<vmem>>, vector<16xi32>,
    %get3A_282 = arith.constant 3 : i32
    %get3A_283 = arith.index_cast %get3A_282 : i32 to index
    %get3A_284 = arith.constant 80 : index
    %get3A_285 = tpu.vector_load %arg7[%get3A_283, %get3A_284] {strides = array<i32>} : memref<8x128xi32, #tpu.memory_space<vmem>>, vector<16xi32>,
    %add3A_286 = arith.addi %get3A_285, %mul3A_22 : vector<16xi32>
    %swap3A_287 = arith.constant 3 : i32
    %swap3A_288 = arith.index_cast %swap3A_287 : i32 to index
    %swap3A_289 = arith.constant 80 : index
    %swap3A_290 = tpu.vector_load %arg7[%swap3A_288, %swap3A_289] {strides = array<i32>} : memref<8x128xi32, #tpu.memory_space<vmem>>, vector<16xi32>,
    tpu.vector_store %arg7[%swap3A_288, %swap3A_289], %add3A_286 {strides = array<i32>} : memref<8x128xi32, #tpu.memory_space<vmem>>, vector<16xi32>,
    %get3A_291 = arith.constant 3 : i32
    %get3A_292 = arith.index_cast %get3A_291 : i32 to index
    %get3A_293 = arith.constant 96 : index
    %get3A_294 = tpu.vector_load %arg7[%get3A_292, %get3A_293] {strides = array<i32>} : memref<8x128xi32, #tpu.memory_space<vmem>>, vector<16xi32>,
    %add3A_295 = arith.addi %get3A_294, %mul3A_22 : vector<16xi32>
    %swap3A_296 = arith.constant 3 : i32
    %swap3A_297 = arith.index_cast %swap3A_296 : i32 to index
    %swap3A_298 = arith.constant 96 : index
    %swap3A_299 = tpu.vector_load %arg7[%swap3A_297, %swap3A_298] {strides = array<i32>} : memref<8x128xi32, #tpu.memory_space<vmem>>, vector<16xi32>,
    tpu.vector_store %arg7[%swap3A_297, %swap3A_298], %add3A_295 {strides = array<i32>} : memref<8x128xi32, #tpu.memory_space<vmem>>, vector<16xi32>,
    %get3A_300 = arith.constant 3 : i32
    %get3A_301 = arith.index_cast %get3A_300 : i32 to index
    %get3A_302 = arith.constant 112 : index
    %get3A_303 = tpu.vector_load %arg7[%get3A_301, %get3A_302] {strides = array<i32>} : memref<8x128xi32, #tpu.memory_space<vmem>>, vector<16xi32>,
    %add3A_304 = arith.addi %get3A_303, %mul3A_22 : vector<16xi32>
    %swap3A_305 = arith.constant 3 : i32
    %swap3A_306 = arith.index_cast %swap3A_305 : i32 to index
    %swap3A_307 = arith.constant 112 : index
    %swap3A_308 = tpu.vector_load %arg7[%swap3A_306, %swap3A_307] {strides = array<i32>} : memref<8x128xi32, #tpu.memory_space<vmem>>, vector<16xi32>,
    tpu.vector_store %arg7[%swap3A_306, %swap3A_307], %add3A_304 {strides = array<i32>} : memref<8x128xi32, #tpu.memory_space<vmem>>, vector<16xi32>,
    %get3A_309 = arith.constant 4 : i32
    %get3A_310 = arith.index_cast %get3A_309 : i32 to index
    %get3A_311 = arith.constant 0 : index
    %get3A_312 = tpu.vector_load %arg7[%get3A_310, %get3A_311] {strides = array<i32>} : memref<8x128xi32, #tpu.memory_space<vmem>>, vector<16xi32>,
    %add3A_313 = arith.addi %get3A_312, %mul3A_22 : vector<16xi32>
    %swap3A_314 = arith.constant 4 : i32
    %swap3A_315 = arith.index_cast %swap3A_314 : i32 to index
    %swap3A_316 = arith.constant 0 : index
    %swap3A_317 = tpu.vector_load %arg7[%swap3A_315, %swap3A_316] {strides = array<i32>} : memref<8x128xi32, #tpu.memory_space<vmem>>, vector<16xi32>,
    tpu.vector_store %arg7[%swap3A_315, %swap3A_316], %add3A_313 {strides = array<i32>} : memref<8x128xi32, #tpu.memory_space<vmem>>, vector<16xi32>,
    %get3A_318 = arith.constant 4 : i32
    %get3A_319 = arith.index_cast %get3A_318 : i32 to index
    %get3A_320 = arith.constant 16 : index
    %get3A_321 = tpu.vector_load %arg7[%get3A_319, %get3A_320] {strides = array<i32>} : memref<8x128xi32, #tpu.memory_space<vmem>>, vector<16xi32>,
    %add3A_322 = arith.addi %get3A_321, %mul3A_22 : vector<16xi32>
    %swap3A_323 = arith.constant 4 : i32
    %swap3A_324 = arith.index_cast %swap3A_323 : i32 to index
    %swap3A_325 = arith.constant 16 : index
    %swap3A_326 = tpu.vector_load %arg7[%swap3A_324, %swap3A_325] {strides = array<i32>} : memref<8x128xi32, #tpu.memory_space<vmem>>, vector<16xi32>,
    tpu.vector_store %arg7[%swap3A_324, %swap3A_325], %add3A_322 {strides = array<i32>} : memref<8x128xi32, #tpu.memory_space<vmem>>, vector<16xi32>,
    %get3A_327 = arith.constant 4 : i32
    %get3A_328 = arith.index_cast %get3A_327 : i32 to index
    %get3A_329 = arith.constant 32 : index
    %get3A_330 = tpu.vector_load %arg7[%get3A_328, %get3A_329] {strides = array<i32>} : memref<8x128xi32, #tpu.memory_space<vmem>>, vector<16xi32>,
    %add3A_331 = arith.addi %get3A_330, %mul3A_22 : vector<16xi32>
    %swap3A_332 = arith.constant 4 : i32
    %swap3A_333 = arith.index_cast %swap3A_332 : i32 to index
    %swap3A_334 = arith.constant 32 : index
    %swap3A_335 = tpu.vector_load %arg7[%swap3A_333, %swap3A_334] {strides = array<i32>} : memref<8x128xi32, #tpu.memory_space<vmem>>, vector<16xi32>,
    tpu.vector_store %arg7[%swap3A_333, %swap3A_334], %add3A_331 {strides = array<i32>} : memref<8x128xi32, #tpu.memory_space<vmem>>, vector<16xi32>,
    %get3A_336 = arith.constant 4 : i32
    %get3A_337 = arith.index_cast %get3A_336 : i32 to index
    %get3A_338 = arith.constant 48 : index
    %get3A_339 = tpu.vector_load %arg7[%get3A_337, %get3A_338] {strides = array<i32>} : memref<8x128xi32, #tpu.memory_space<vmem>>, vector<16xi32>,
    %add3A_340 = arith.addi %get3A_339, %mul3A_22 : vector<16xi32>
    %swap3A_341 = arith.constant 4 : i32
    %swap3A_342 = arith.index_cast %swap3A_341 : i32 to index
    %swap3A_343 = arith.constant 48 : index
    %swap3A_344 = tpu.vector_load %arg7[%swap3A_342, %swap3A_343] {strides = array<i32>} : memref<8x128xi32, #tpu.memory_space<vmem>>, vector<16xi32>,
    tpu.vector_store %arg7[%swap3A_342, %swap3A_343], %add3A_340 {strides = array<i32>} : memref<8x128xi32, #tpu.memory_space<vmem>>, vector<16xi32>,
    %get3A_345 = arith.constant 4 : i32
    %get3A_346 = arith.index_cast %get3A_345 : i32 to index
    %get3A_347 = arith.constant 64 : index
    %get3A_348 = tpu.vector_load %arg7[%get3A_346, %get3A_347] {strides = array<i32>} : memref<8x128xi32, #tpu.memory_space<vmem>>, vector<16xi32>,
    %add3A_349 = arith.addi %get3A_348, %mul3A_22 : vector<16xi32>
    %swap3A_350 = arith.constant 4 : i32
    %swap3A_351 = arith.index_cast %swap3A_350 : i32 to index
    %swap3A_352 = arith.constant 64 : index
    %swap3A_353 = tpu.vector_load %arg7[%swap3A_351, %swap3A_352] {strides = array<i32>} : memref<8x128xi32, #tpu.memory_space<vmem>>, vector<16xi32>,
    tpu.vector_store %arg7[%swap3A_351, %swap3A_352], %add3A_349 {strides = array<i32>} : memref<8x128xi32, #tpu.memory_space<vmem>>, vector<16xi32>,
    %get3A_354 = arith.constant 4 : i32
    %get3A_355 = arith.index_cast %get3A_354 : i32 to index
    %get3A_356 = arith.constant 80 : index
    %get3A_357 = tpu.vector_load %arg7[%get3A_355, %get3A_356] {strides = array<i32>} : memref<8x128xi32, #tpu.memory_space<vmem>>, vector<16xi32>,
    %add3A_358 = arith.addi %get3A_357, %mul3A_22 : vector<16xi32>
    %swap3A_359 = arith.constant 4 : i32
    %swap3A_360 = arith.index_cast %swap3A_359 : i32 to index
    %swap3A_361 = arith.constant 80 : index
    %swap3A_362 = tpu.vector_load %arg7[%swap3A_360, %swap3A_361] {strides = array<i32>} : memref<8x128xi32, #tpu.memory_space<vmem>>, vector<16xi32>,
    tpu.vector_store %arg7[%swap3A_360, %swap3A_361], %add3A_358 {strides = array<i32>} : memref<8x128xi32, #tpu.memory_space<vmem>>, vector<16xi32>,
    %get3A_363 = arith.constant 4 : i32
    %get3A_364 = arith.index_cast %get3A_363 : i32 to index
    %get3A_365 = arith.constant 96 : index
    %get3A_366 = tpu.vector_load %arg7[%get3A_364, %get3A_365] {strides = array<i32>} : memref<8x128xi32, #tpu.memory_space<vmem>>, vector<16xi32>,
    %add3A_367 = arith.addi %get3A_366, %mul3A_22 : vector<16xi32>
    %swap3A_368 = arith.constant 4 : i32
    %swap3A_369 = arith.index_cast %swap3A_368 : i32 to index
    %swap3A_370 = arith.constant 96 : index
    %swap3A_371 = tpu.vector_load %arg7[%swap3A_369, %swap3A_370] {strides = array<i32>} : memref<8x128xi32, #tpu.memory_space<vmem>>, vector<16xi32>,
    tpu.vector_store %arg7[%swap3A_369, %swap3A_370], %add3A_367 {strides = array<i32>} : memref<8x128xi32, #tpu.memory_space<vmem>>, vector<16xi32>,
    %get3A_372 = arith.constant 4 : i32
    %get3A_373 = arith.index_cast %get3A_372 : i32 to index
    %get3A_374 = arith.constant 112 : index
    %get3A_375 = tpu.vector_load %arg7[%get3A_373, %get3A_374] {strides = array<i32>} : memref<8x128xi32, #tpu.memory_space<vmem>>, vector<16xi32>,
    %add3A_376 = arith.addi %get3A_375, %mul3A_22 : vector<16xi32>
    %swap3A_377 = arith.constant 4 : i32
    %swap3A_378 = arith.index_cast %swap3A_377 : i32 to index
    %swap3A_379 = arith.constant 112 : index
    %swap3A_380 = tpu.vector_load %arg7[%swap3A_378, %swap3A_379] {strides = array<i32>} : memref<8x128xi32, #tpu.memory_space<vmem>>, vector<16xi32>,
    tpu.vector_store %arg7[%swap3A_378, %swap3A_379], %add3A_376 {strides = array<i32>} : memref<8x128xi32, #tpu.memory_space<vmem>>, vector<16xi32>,
    %get3A_381 = arith.constant 5 : i32
    %get3A_382 = arith.index_cast %get3A_381 : i32 to index
    %get3A_383 = arith.constant 0 : index
    %get3A_384 = tpu.vector_load %arg7[%get3A_382, %get3A_383] {strides = array<i32>} : memref<8x128xi32, #tpu.memory_space<vmem>>, vector<16xi32>,
    %add3A_385 = arith.addi %get3A_384, %mul3A_22 : vector<16xi32>
    %swap3A_386 = arith.constant 5 : i32
    %swap3A_387 = arith.index_cast %swap3A_386 : i32 to index
    %swap3A_388 = arith.constant 0 : index
    %swap3A_389 = tpu.vector_load %arg7[%swap3A_387, %swap3A_388] {strides = array<i32>} : memref<8x128xi32, #tpu.memory_space<vmem>>, vector<16xi32>,
    tpu.vector_store %arg7[%swap3A_387, %swap3A_388], %add3A_385 {strides = array<i32>} : memref<8x128xi32, #tpu.memory_space<vmem>>, vector<16xi32>,
    %get3A_390 = arith.constant 5 : i32
    %get3A_391 = arith.index_cast %get3A_390 : i32 to index
    %get3A_392 = arith.constant 16 : index
    %get3A_393 = tpu.vector_load %arg7[%get3A_391, %get3A_392] {strides = array<i32>} : memref<8x128xi32, #tpu.memory_space<vmem>>, vector<16xi32>,
    %add3A_394 = arith.addi %get3A_393, %mul3A_22 : vector<16xi32>
    %swap3A_395 = arith.constant 5 : i32
    %swap3A_396 = arith.index_cast %swap3A_395 : i32 to index
    %swap3A_397 = arith.constant 16 : index
    %swap3A_398 = tpu.vector_load %arg7[%swap3A_396, %swap3A_397] {strides = array<i32>} : memref<8x128xi32, #tpu.memory_space<vmem>>, vector<16xi32>,
    tpu.vector_store %arg7[%swap3A_396, %swap3A_397], %add3A_394 {strides = array<i32>} : memref<8x128xi32, #tpu.memory_space<vmem>>, vector<16xi32>,
    %get3A_399 = arith.constant 5 : i32
    %get3A_400 = arith.index_cast %get3A_399 : i32 to index
    %get3A_401 = arith.constant 32 : index
    %get3A_402 = tpu.vector_load %arg7[%get3A_400, %get3A_401] {strides = array<i32>} : memref<8x128xi32, #tpu.memory_space<vmem>>, vector<16xi32>,
    %add3A_403 = arith.addi %get3A_402, %mul3A_22 : vector<16xi32>
    %swap3A_404 = arith.constant 5 : i32
    %swap3A_405 = arith.index_cast %swap3A_404 : i32 to index
    %swap3A_406 = arith.constant 32 : index
    %swap3A_407 = tpu.vector_load %arg7[%swap3A_405, %swap3A_406] {strides = array<i32>} : memref<8x128xi32, #tpu.memory_space<vmem>>, vector<16xi32>,
    tpu.vector_store %arg7[%swap3A_405, %swap3A_406], %add3A_403 {strides = array<i32>} : memref<8x128xi32, #tpu.memory_space<vmem>>, vector<16xi32>,
    %get3A_408 = arith.constant 5 : i32
    %get3A_409 = arith.index_cast %get3A_408 : i32 to index
    %get3A_410 = arith.constant 48 : index
    %get3A_411 = tpu.vector_load %arg7[%get3A_409, %get3A_410] {strides = array<i32>} : memref<8x128xi32, #tpu.memory_space<vmem>>, vector<16xi32>,
    %add3A_412 = arith.addi %get3A_411, %mul3A_22 : vector<16xi32>
    %swap3A_413 = arith.constant 5 : i32
    %swap3A_414 = arith.index_cast %swap3A_413 : i32 to index
    %swap3A_415 = arith.constant 48 : index
    %swap3A_416 = tpu.vector_load %arg7[%swap3A_414, %swap3A_415] {strides = array<i32>} : memref<8x128xi32, #tpu.memory_space<vmem>>, vector<16xi32>,
    tpu.vector_store %arg7[%swap3A_414, %swap3A_415], %add3A_412 {strides = array<i32>} : memref<8x128xi32, #tpu.memory_space<vmem>>, vector<16xi32>,
    %get3A_417 = arith.constant 5 : i32
    %get3A_418 = arith.index_cast %get3A_417 : i32 to index
    %get3A_419 = arith.constant 64 : index
    %get3A_420 = tpu.vector_load %arg7[%get3A_418, %get3A_419] {strides = array<i32>} : memref<8x128xi32, #tpu.memory_space<vmem>>, vector<16xi32>,
    %add3A_421 = arith.addi %get3A_420, %mul3A_22 : vector<16xi32>
    %swap3A_422 = arith.constant 5 : i32
    %swap3A_423 = arith.index_cast %swap3A_422 : i32 to index
    %swap3A_424 = arith.constant 64 : index
    %swap3A_425 = tpu.vector_load %arg7[%swap3A_423, %swap3A_424] {strides = array<i32>} : memref<8x128xi32, #tpu.memory_space<vmem>>, vector<16xi32>,
    tpu.vector_store %arg7[%swap3A_423, %swap3A_424], %add3A_421 {strides = array<i32>} : memref<8x128xi32, #tpu.memory_space<vmem>>, vector<16xi32>,
    %get3A_426 = arith.constant 5 : i32
    %get3A_427 = arith.index_cast %get3A_426 : i32 to index
    %get3A_428 = arith.constant 80 : index
    %get3A_429 = tpu.vector_load %arg7[%get3A_427, %get3A_428] {strides = array<i32>} : memref<8x128xi32, #tpu.memory_space<vmem>>, vector<16xi32>,
    %add3A_430 = arith.addi %get3A_429, %mul3A_22 : vector<16xi32>
    %swap3A_431 = arith.constant 5 : i32
    %swap3A_432 = arith.index_cast %swap3A_431 : i32 to index
    %swap3A_433 = arith.constant 80 : index
    %swap3A_434 = tpu.vector_load %arg7[%swap3A_432, %swap3A_433] {strides = array<i32>} : memref<8x128xi32, #tpu.memory_space<vmem>>, vector<16xi32>,
    tpu.vector_store %arg7[%swap3A_432, %swap3A_433], %add3A_430 {strides = array<i32>} : memref<8x128xi32, #tpu.memory_space<vmem>>, vector<16xi32>,
    %get3A_435 = arith.constant 5 : i32
    %get3A_436 = arith.index_cast %get3A_435 : i32 to index
    %get3A_437 = arith.constant 96 : index
    %get3A_438 = tpu.vector_load %arg7[%get3A_436, %get3A_437] {strides = array<i32>} : memref<8x128xi32, #tpu.memory_space<vmem>>, vector<16xi32>,
    %add3A_439 = arith.addi %get3A_438, %mul3A_22 : vector<16xi32>
    %swap3A_440 = arith.constant 5 : i32
    %swap3A_441 = arith.index_cast %swap3A_440 : i32 to index
    %swap3A_442 = arith.constant 96 : index
    %swap3A_443 = tpu.vector_load %arg7[%swap3A_441, %swap3A_442] {strides = array<i32>} : memref<8x128xi32, #tpu.memory_space<vmem>>, vector<16xi32>,
    tpu.vector_store %arg7[%swap3A_441, %swap3A_442], %add3A_439 {strides = array<i32>} : memref<8x128xi32, #tpu.memory_space<vmem>>, vector<16xi32>,
    %get3A_444 = arith.constant 5 : i32
    %get3A_445 = arith.index_cast %get3A_444 : i32 to index
    %get3A_446 = arith.constant 112 : index
    %get3A_447 = tpu.vector_load %arg7[%get3A_445, %get3A_446] {strides = array<i32>} : memref<8x128xi32, #tpu.memory_space<vmem>>, vector<16xi32>,
    %add3A_448 = arith.addi %get3A_447, %mul3A_22 : vector<16xi32>
    %swap3A_449 = arith.constant 5 : i32
    %swap3A_450 = arith.index_cast %swap3A_449 : i32 to index
    %swap3A_451 = arith.constant 112 : index
    %swap3A_452 = tpu.vector_load %arg7[%swap3A_450, %swap3A_451] {strides = array<i32>} : memref<8x128xi32, #tpu.memory_space<vmem>>, vector<16xi32>,
    tpu.vector_store %arg7[%swap3A_450, %swap3A_451], %add3A_448 {strides = array<i32>} : memref<8x128xi32, #tpu.memory_space<vmem>>, vector<16xi32>,
    %get3A_453 = arith.constant 6 : i32
    %get3A_454 = arith.index_cast %get3A_453 : i32 to index
    %get3A_455 = arith.constant 0 : index
    %get3A_456 = tpu.vector_load %arg7[%get3A_454, %get3A_455] {strides = array<i32>} : memref<8x128xi32, #tpu.memory_space<vmem>>, vector<16xi32>,
    %add3A_457 = arith.addi %get3A_456, %mul3A_22 : vector<16xi32>
    %swap3A_458 = arith.constant 6 : i32
    %swap3A_459 = arith.index_cast %swap3A_458 : i32 to index
    %swap3A_460 = arith.constant 0 : index
    %swap3A_461 = tpu.vector_load %arg7[%swap3A_459, %swap3A_460] {strides = array<i32>} : memref<8x128xi32, #tpu.memory_space<vmem>>, vector<16xi32>,
    tpu.vector_store %arg7[%swap3A_459, %swap3A_460], %add3A_457 {strides = array<i32>} : memref<8x128xi32, #tpu.memory_space<vmem>>, vector<16xi32>,
    %get3A_462 = arith.constant 6 : i32
    %get3A_463 = arith.index_cast %get3A_462 : i32 to index
    %get3A_464 = arith.constant 16 : index
    %get3A_465 = tpu.vector_load %arg7[%get3A_463, %get3A_464] {strides = array<i32>} : memref<8x128xi32, #tpu.memory_space<vmem>>, vector<16xi32>,
    %add3A_466 = arith.addi %get3A_465, %mul3A_22 : vector<16xi32>
    %swap3A_467 = arith.constant 6 : i32
    %swap3A_468 = arith.index_cast %swap3A_467 : i32 to index
    %swap3A_469 = arith.constant 16 : index
    %swap3A_470 = tpu.vector_load %arg7[%swap3A_468, %swap3A_469] {strides = array<i32>} : memref<8x128xi32, #tpu.memory_space<vmem>>, vector<16xi32>,
    tpu.vector_store %arg7[%swap3A_468, %swap3A_469], %add3A_466 {strides = array<i32>} : memref<8x128xi32, #tpu.memory_space<vmem>>, vector<16xi32>,
    %get3A_471 = arith.constant 6 : i32
    %get3A_472 = arith.index_cast %get3A_471 : i32 to index
    %get3A_473 = arith.constant 32 : index
    %get3A_474 = tpu.vector_load %arg7[%get3A_472, %get3A_473] {strides = array<i32>} : memref<8x128xi32, #tpu.memory_space<vmem>>, vector<16xi32>,
    %add3A_475 = arith.addi %get3A_474, %mul3A_22 : vector<16xi32>
    %swap3A_476 = arith.constant 6 : i32
    %swap3A_477 = arith.index_cast %swap3A_476 : i32 to index
    %swap3A_478 = arith.constant 32 : index
    %swap3A_479 = tpu.vector_load %arg7[%swap3A_477, %swap3A_478] {strides = array<i32>} : memref<8x128xi32, #tpu.memory_space<vmem>>, vector<16xi32>,
    tpu.vector_store %arg7[%swap3A_477, %swap3A_478], %add3A_475 {strides = array<i32>} : memref<8x128xi32, #tpu.memory_space<vmem>>, vector<16xi32>,
    %get3A_480 = arith.constant 6 : i32
    %get3A_481 = arith.index_cast %get3A_480 : i32 to index
    %get3A_482 = arith.constant 48 : index
    %get3A_483 = tpu.vector_load %arg7[%get3A_481, %get3A_482] {strides = array<i32>} : memref<8x128xi32, #tpu.memory_space<vmem>>, vector<16xi32>,
    %add3A_484 = arith.addi %get3A_483, %mul3A_22 : vector<16xi32>
    %swap3A_485 = arith.constant 6 : i32
    %swap3A_486 = arith.index_cast %swap3A_485 : i32 to index
    %swap3A_487 = arith.constant 48 : index
    %swap3A_488 = tpu.vector_load %arg7[%swap3A_486, %swap3A_487] {strides = array<i32>} : memref<8x128xi32, #tpu.memory_space<vmem>>, vector<16xi32>,
    tpu.vector_store %arg7[%swap3A_486, %swap3A_487], %add3A_484 {strides = array<i32>} : memref<8x128xi32, #tpu.memory_space<vmem>>, vector<16xi32>,
    %get3A_489 = arith.constant 6 : i32
    %get3A_490 = arith.index_cast %get3A_489 : i32 to index
    %get3A_491 = arith.constant 64 : index
    %get3A_492 = tpu.vector_load %arg7[%get3A_490, %get3A_491] {strides = array<i32>} : memref<8x128xi32, #tpu.memory_space<vmem>>, vector<16xi32>,
    %add3A_493 = arith.addi %get3A_492, %mul3A_22 : vector<16xi32>
    %swap3A_494 = arith.constant 6 : i32
    %swap3A_495 = arith.index_cast %swap3A_494 : i32 to index
    %swap3A_496 = arith.constant 64 : index
    %swap3A_497 = tpu.vector_load %arg7[%swap3A_495, %swap3A_496] {strides = array<i32>} : memref<8x128xi32, #tpu.memory_space<vmem>>, vector<16xi32>,
    tpu.vector_store %arg7[%swap3A_495, %swap3A_496], %add3A_493 {strides = array<i32>} : memref<8x128xi32, #tpu.memory_space<vmem>>, vector<16xi32>,
    %get3A_498 = arith.constant 6 : i32
    %get3A_499 = arith.index_cast %get3A_498 : i32 to index
    %get3A_500 = arith.constant 80 : index
    %get3A_501 = tpu.vector_load %arg7[%get3A_499, %get3A_500] {strides = array<i32>} : memref<8x128xi32, #tpu.memory_space<vmem>>, vector<16xi32>,
    %add3A_502 = arith.addi %get3A_501, %mul3A_22 : vector<16xi32>
    %swap3A_503 = arith.constant 6 : i32
    %swap3A_504 = arith.index_cast %swap3A_503 : i32 to index
    %swap3A_505 = arith.constant 80 : index
    %swap3A_506 = tpu.vector_load %arg7[%swap3A_504, %swap3A_505] {strides = array<i32>} : memref<8x128xi32, #tpu.memory_space<vmem>>, vector<16xi32>,
    tpu.vector_store %arg7[%swap3A_504, %swap3A_505], %add3A_502 {strides = array<i32>} : memref<8x128xi32, #tpu.memory_space<vmem>>, vector<16xi32>,
    %get3A_507 = arith.constant 6 : i32
    %get3A_508 = arith.index_cast %get3A_507 : i32 to index
    %get3A_509 = arith.constant 96 : index
    %get3A_510 = tpu.vector_load %arg7[%get3A_508, %get3A_509] {strides = array<i32>} : memref<8x128xi32, #tpu.memory_space<vmem>>, vector<16xi32>,
    %add3A_511 = arith.addi %get3A_510, %mul3A_22 : vector<16xi32>
    %swap3A_512 = arith.constant 6 : i32
    %swap3A_513 = arith.index_cast %swap3A_512 : i32 to index
    %swap3A_514 = arith.constant 96 : index
    %swap3A_515 = tpu.vector_load %arg7[%swap3A_513, %swap3A_514] {strides = array<i32>} : memref<8x128xi32, #tpu.memory_space<vmem>>, vector<16xi32>,
    tpu.vector_store %arg7[%swap3A_513, %swap3A_514], %add3A_511 {strides = array<i32>} : memref<8x128xi32, #tpu.memory_space<vmem>>, vector<16xi32>,
    %get3A_516 = arith.constant 6 : i32
    %get3A_517 = arith.index_cast %get3A_516 : i32 to index
    %get3A_518 = arith.constant 112 : index
    %get3A_519 = tpu.vector_load %arg7[%get3A_517, %get3A_518] {strides = array<i32>} : memref<8x128xi32, #tpu.memory_space<vmem>>, vector<16xi32>,
    %add3A_520 = arith.addi %get3A_519, %mul3A_22 : vector<16xi32>
    %swap3A_521 = arith.constant 6 : i32
    %swap3A_522 = arith.index_cast %swap3A_521 : i32 to index
    %swap3A_523 = arith.constant 112 : index
    %swap3A_524 = tpu.vector_load %arg7[%swap3A_522, %swap3A_523] {strides = array<i32>} : memref<8x128xi32, #tpu.memory_space<vmem>>, vector<16xi32>,
    tpu.vector_store %arg7[%swap3A_522, %swap3A_523], %add3A_520 {strides = array<i32>} : memref<8x128xi32, #tpu.memory_space<vmem>>, vector<16xi32>,
    %get3A_525 = arith.constant 7 : i32
    %get3A_526 = arith.index_cast %get3A_525 : i32 to index
    %get3A_527 = arith.constant 0 : index
    %get3A_528 = tpu.vector_load %arg7[%get3A_526, %get3A_527] {strides = array<i32>} : memref<8x128xi32, #tpu.memory_space<vmem>>, vector<16xi32>,
    %add3A_529 = arith.addi %get3A_528, %mul3A_22 : vector<16xi32>
    %swap3A_530 = arith.constant 7 : i32
    %swap3A_531 = arith.index_cast %swap3A_530 : i32 to index
    %swap3A_532 = arith.constant 0 : index
    %swap3A_533 = tpu.vector_load %arg7[%swap3A_531, %swap3A_532] {strides = array<i32>} : memref<8x128xi32, #tpu.memory_space<vmem>>, vector<16xi32>,
    tpu.vector_store %arg7[%swap3A_531, %swap3A_532], %add3A_529 {strides = array<i32>} : memref<8x128xi32, #tpu.memory_space<vmem>>, vector<16xi32>,
    %get3A_534 = arith.constant 7 : i32
    %get3A_535 = arith.index_cast %get3A_534 : i32 to index
    %get3A_536 = arith.constant 16 : index
    %get3A_537 = tpu.vector_load %arg7[%get3A_535, %get3A_536] {strides = array<i32>} : memref<8x128xi32, #tpu.memory_space<vmem>>, vector<16xi32>,
    %add3A_538 = arith.addi %get3A_537, %mul3A_22 : vector<16xi32>
    %swap3A_539 = arith.constant 7 : i32
    %swap3A_540 = arith.index_cast %swap3A_539 : i32 to index
    %swap3A_541 = arith.constant 16 : index
    %swap3A_542 = tpu.vector_load %arg7[%swap3A_540, %swap3A_541] {strides = array<i32>} : memref<8x128xi32, #tpu.memory_space<vmem>>, vector<16xi32>,
    tpu.vector_store %arg7[%swap3A_540, %swap3A_541], %add3A_538 {strides = array<i32>} : memref<8x128xi32, #tpu.memory_space<vmem>>, vector<16xi32>,
    %get3A_543 = arith.constant 7 : i32
    %get3A_544 = arith.index_cast %get3A_543 : i32 to index
    %get3A_545 = arith.constant 32 : index
    %get3A_546 = tpu.vector_load %arg7[%get3A_544, %get3A_545] {strides = array<i32>} : memref<8x128xi32, #tpu.memory_space<vmem>>, vector<16xi32>,
    %add3A_547 = arith.addi %get3A_546, %mul3A_22 : vector<16xi32>
    %swap3A_548 = arith.constant 7 : i32
    %swap3A_549 = arith.index_cast %swap3A_548 : i32 to index
    %swap3A_550 = arith.constant 32 : index
    %swap3A_551 = tpu.vector_load %arg7[%swap3A_549, %swap3A_550] {strides = array<i32>} : memref<8x128xi32, #tpu.memory_space<vmem>>, vector<16xi32>,
    tpu.vector_store %arg7[%swap3A_549, %swap3A_550], %add3A_547 {strides = array<i32>} : memref<8x128xi32, #tpu.memory_space<vmem>>, vector<16xi32>,
    %get3A_552 = arith.constant 7 : i32
    %get3A_553 = arith.index_cast %get3A_552 : i32 to index
    %get3A_554 = arith.constant 48 : index
    %get3A_555 = tpu.vector_load %arg7[%get3A_553, %get3A_554] {strides = array<i32>} : memref<8x128xi32, #tpu.memory_space<vmem>>, vector<16xi32>,
    %add3A_556 = arith.addi %get3A_555, %mul3A_22 : vector<16xi32>
    %swap3A_557 = arith.constant 7 : i32
    %swap3A_558 = arith.index_cast %swap3A_557 : i32 to index
    %swap3A_559 = arith.constant 48 : index
    %swap3A_560 = tpu.vector_load %arg7[%swap3A_558, %swap3A_559] {strides = array<i32>} : memref<8x128xi32, #tpu.memory_space<vmem>>, vector<16xi32>,
    tpu.vector_store %arg7[%swap3A_558, %swap3A_559], %add3A_556 {strides = array<i32>} : memref<8x128xi32, #tpu.memory_space<vmem>>, vector<16xi32>,
    %get3A_561 = arith.constant 7 : i32
    %get3A_562 = arith.index_cast %get3A_561 : i32 to index
    %get3A_563 = arith.constant 64 : index
    %get3A_564 = tpu.vector_load %arg7[%get3A_562, %get3A_563] {strides = array<i32>} : memref<8x128xi32, #tpu.memory_space<vmem>>, vector<16xi32>,
    %add3A_565 = arith.addi %get3A_564, %mul3A_22 : vector<16xi32>
    %swap3A_566 = arith.constant 7 : i32
    %swap3A_567 = arith.index_cast %swap3A_566 : i32 to index
    %swap3A_568 = arith.constant 64 : index
    %swap3A_569 = tpu.vector_load %arg7[%swap3A_567, %swap3A_568] {strides = array<i32>} : memref<8x128xi32, #tpu.memory_space<vmem>>, vector<16xi32>,
    tpu.vector_store %arg7[%swap3A_567, %swap3A_568], %add3A_565 {strides = array<i32>} : memref<8x128xi32, #tpu.memory_space<vmem>>, vector<16xi32>,
    %get3A_570 = arith.constant 7 : i32
    %get3A_571 = arith.index_cast %get3A_570 : i32 to index
    %get3A_572 = arith.constant 80 : index
    %get3A_573 = tpu.vector_load %arg7[%get3A_571, %get3A_572] {strides = array<i32>} : memref<8x128xi32, #tpu.memory_space<vmem>>, vector<16xi32>,
    %add3A_574 = arith.addi %get3A_573, %mul3A_22 : vector<16xi32>
    %swap3A_575 = arith.constant 7 : i32
    %swap3A_576 = arith.index_cast %swap3A_575 : i32 to index
    %swap3A_577 = arith.constant 80 : index
    %swap3A_578 = tpu.vector_load %arg7[%swap3A_576, %swap3A_577] {strides = array<i32>} : memref<8x128xi32, #tpu.memory_space<vmem>>, vector<16xi32>,
    tpu.vector_store %arg7[%swap3A_576, %swap3A_577], %add3A_574 {strides = array<i32>} : memref<8x128xi32, #tpu.memory_space<vmem>>, vector<16xi32>,
    %get3A_579 = arith.constant 7 : i32
    %get3A_580 = arith.index_cast %get3A_579 : i32 to index
    %get3A_581 = arith.constant 96 : index
    %get3A_582 = tpu.vector_load %arg7[%get3A_580, %get3A_581] {strides = array<i32>} : memref<8x128xi32, #tpu.memory_space<vmem>>, vector<16xi32>,
    %add3A_583 = arith.addi %get3A_582, %mul3A_22 : vector<16xi32>
    %swap3A_584 = arith.constant 7 : i32
    %swap3A_585 = arith.index_cast %swap3A_584 : i32 to index
    %swap3A_586 = arith.constant 96 : index
    %swap3A_587 = tpu.vector_load %arg7[%swap3A_585, %swap3A_586] {strides = array<i32>} : memref<8x128xi32, #tpu.memory_space<vmem>>, vector<16xi32>,
    tpu.vector_store %arg7[%swap3A_585, %swap3A_586], %add3A_583 {strides = array<i32>} : memref<8x128xi32, #tpu.memory_space<vmem>>, vector<16xi32>,
    %get3A_588 = arith.constant 7 : i32
    %get3A_589 = arith.index_cast %get3A_588 : i32 to index
    %get3A_590 = arith.constant 112 : index
    %get3A_591 = tpu.vector_load %arg7[%get3A_589, %get3A_590] {strides = array<i32>} : memref<8x128xi32, #tpu.memory_space<vmem>>, vector<16xi32>,
    %add3A_592 = arith.addi %get3A_591, %mul3A_22 : vector<16xi32>
    %swap3A_593 = arith.constant 7 : i32
    %swap3A_594 = arith.index_cast %swap3A_593 : i32 to index
    %swap3A_595 = arith.constant 112 : index
    %swap3A_596 = tpu.vector_load %arg7[%swap3A_594, %swap3A_595] {strides = array<i32>} : memref<8x128xi32, #tpu.memory_space<vmem>>, vector<16xi32>,
    tpu.vector_store %arg7[%swap3A_594, %swap3A_595], %add3A_592 {strides = array<i32>} : memref<8x128xi32, #tpu.memory_space<vmem>>, vector<16xi32>,
    %dma_start3A = arith.constant 0 : i32
    %dma_start3A_597 = arith.constant 0 : i32
    %dma_start3A_598 = arith.constant 0 : i32
    %dma_start3A_599 = arith.constant 0 : i32
    %dma_start3A_600 = tpu.memref_slice %arg8[%dma_start3A_597, %dma_start3A_598, %dma_start3A_599] : memref<4x128x128xf32, #tpu.memory_space<vmem>> -> memref<1x128x128xf32, #tpu.memory_space<vmem>>
    %dma_start3A_601 = tpu.memref_squeeze %dma_start3A_600 : memref<1x128x128xf32, #tpu.memory_space<vmem>> -> memref<128x128xf32, #tpu.memory_space<vmem>>
    %dma_start3A_602 = arith.constant 0 : i32
    %dma_start3A_603 = tpu.memref_slice %arg7[%dma_start3A, %dma_start3A_602] : memref<8x128xi32, #tpu.memory_space<vmem>> -> memref<1x128xi32, #tpu.memory_space<vmem>>
    %dma_start3A_604 = tpu.memref_squeeze %dma_start3A_603 : memref<1x128xi32, #tpu.memory_space<vmem>> -> memref<128xi32, #tpu.memory_space<vmem>>
    %dma_start3A_605 = arith.constant 0 : i32
    %dma_start3A_606 = arith.constant 0 : i32
    %dma_start3A_607 = tpu.memref_slice %arg2[%dma_start3A_605, %dma_start3A_606] : memref<65536x128xf32, #tpu.memory_space<hbm>> -> memref<65536x128xf32, #tpu.memory_space<hbm>>
    tpu.enqueue_indirect_dma source(%dma_start3A_607 : memref<65536x128xf32, #tpu.memory_space<hbm>>) target(%dma_start3A_601 : memref<128x128xf32, #tpu.memory_space<vmem>>) offsets(%dma_start3A_604 : memref<128xi32, #tpu.memory_space<vmem>>) semaphore(%arg12 : memref<!tpu.dma_semaphore, #tpu.memory_space<semaphore_mem>>)
    %dma_start3A_608 = arith.constant 1 : i32
    %dma_start3A_609 = arith.constant 1 : i32
    %dma_start3A_610 = arith.constant 0 : i32
    %dma_start3A_611 = arith.constant 0 : i32
    %dma_start3A_612 = tpu.memref_slice %arg8[%dma_start3A_609, %dma_start3A_610, %dma_start3A_611] : memref<4x128x128xf32, #tpu.memory_space<vmem>> -> memref<1x128x128xf32, #tpu.memory_space<vmem>>
    %dma_start3A_613 = tpu.memref_squeeze %dma_start3A_612 : memref<1x128x128xf32, #tpu.memory_space<vmem>> -> memref<128x128xf32, #tpu.memory_space<vmem>>
    %dma_start3A_614 = arith.constant 0 : i32
    %dma_start3A_615 = tpu.memref_slice %arg7[%dma_start3A_608, %dma_start3A_614] : memref<8x128xi32, #tpu.memory_space<vmem>> -> memref<1x128xi32, #tpu.memory_space<vmem>>
    %dma_start3A_616 = tpu.memref_squeeze %dma_start3A_615 : memref<1x128xi32, #tpu.memory_space<vmem>> -> memref<128xi32, #tpu.memory_space<vmem>>
    %dma_start3A_617 = arith.constant 0 : i32
    %dma_start3A_618 = arith.constant 0 : i32
    %dma_start3A_619 = tpu.memref_slice %arg2[%dma_start3A_617, %dma_start3A_618] : memref<65536x128xf32, #tpu.memory_space<hbm>> -> memref<65536x128xf32, #tpu.memory_space<hbm>>
    tpu.enqueue_indirect_dma source(%dma_start3A_619 : memref<65536x128xf32, #tpu.memory_space<hbm>>) target(%dma_start3A_613 : memref<128x128xf32, #tpu.memory_space<vmem>>) offsets(%dma_start3A_616 : memref<128xi32, #tpu.memory_space<vmem>>) semaphore(%arg12 : memref<!tpu.dma_semaphore, #tpu.memory_space<semaphore_mem>>)
    %dma_start3A_620 = arith.constant 2 : i32
    %dma_start3A_621 = arith.constant 2 : i32
    %dma_start3A_622 = arith.constant 0 : i32
    %dma_start3A_623 = arith.constant 0 : i32
    %dma_start3A_624 = tpu.memref_slice %arg8[%dma_start3A_621, %dma_start3A_622, %dma_start3A_623] : memref<4x128x128xf32, #tpu.memory_space<vmem>> -> memref<1x128x128xf32, #tpu.memory_space<vmem>>
    %dma_start3A_625 = tpu.memref_squeeze %dma_start3A_624 : memref<1x128x128xf32, #tpu.memory_space<vmem>> -> memref<128x128xf32, #tpu.memory_space<vmem>>
    %dma_start3A_626 = arith.constant 0 : i32
    %dma_start3A_627 = tpu.memref_slice %arg7[%dma_start3A_620, %dma_start3A_626] : memref<8x128xi32, #tpu.memory_space<vmem>> -> memref<1x128xi32, #tpu.memory_space<vmem>>
    %dma_start3A_628 = tpu.memref_squeeze %dma_start3A_627 : memref<1x128xi32, #tpu.memory_space<vmem>> -> memref<128xi32, #tpu.memory_space<vmem>>
    %dma_start3A_629 = arith.constant 0 : i32
    %dma_start3A_630 = arith.constant 0 : i32
    %dma_start3A_631 = tpu.memref_slice %arg2[%dma_start3A_629, %dma_start3A_630] : memref<65536x128xf32, #tpu.memory_space<hbm>> -> memref<65536x128xf32, #tpu.memory_space<hbm>>
    tpu.enqueue_indirect_dma source(%dma_start3A_631 : memref<65536x128xf32, #tpu.memory_space<hbm>>) target(%dma_start3A_625 : memref<128x128xf32, #tpu.memory_space<vmem>>) offsets(%dma_start3A_628 : memref<128xi32, #tpu.memory_space<vmem>>) semaphore(%arg12 : memref<!tpu.dma_semaphore, #tpu.memory_space<semaphore_mem>>)
    %dma_start3A_632 = arith.constant 3 : i32
    %dma_start3A_633 = arith.constant 3 : i32
    %dma_start3A_634 = arith.constant 0 : i32
    %dma_start3A_635 = arith.constant 0 : i32
    %dma_start3A_636 = tpu.memref_slice %arg8[%dma_start3A_633, %dma_start3A_634, %dma_start3A_635] : memref<4x128x128xf32, #tpu.memory_space<vmem>> -> memref<1x128x128xf32, #tpu.memory_space<vmem>>
    %dma_start3A_637 = tpu.memref_squeeze %dma_start3A_636 : memref<1x128x128xf32, #tpu.memory_space<vmem>> -> memref<128x128xf32, #tpu.memory_space<vmem>>
    %dma_start3A_638 = arith.constant 0 : i32
    %dma_start3A_639 = tpu.memref_slice %arg7[%dma_start3A_632, %dma_start3A_638] : memref<8x128xi32, #tpu.memory_space<vmem>> -> memref<1x128xi32, #tpu.memory_space<vmem>>
    %dma_start3A_640 = tpu.memref_squeeze %dma_start3A_639 : memref<1x128xi32, #tpu.memory_space<vmem>> -> memref<128xi32, #tpu.memory_space<vmem>>
    %dma_start3A_641 = arith.constant 0 : i32
    %dma_start3A_642 = arith.constant 0 : i32
    %dma_start3A_643 = tpu.memref_slice %arg2[%dma_start3A_641, %dma_start3A_642] : memref<65536x128xf32, #tpu.memory_space<hbm>> -> memref<65536x128xf32, #tpu.memory_space<hbm>>
    tpu.enqueue_indirect_dma source(%dma_start3A_643 : memref<65536x128xf32, #tpu.memory_space<hbm>>) target(%dma_start3A_637 : memref<128x128xf32, #tpu.memory_space<vmem>>) offsets(%dma_start3A_640 : memref<128xi32, #tpu.memory_space<vmem>>) semaphore(%arg12 : memref<!tpu.dma_semaphore, #tpu.memory_space<semaphore_mem>>)
    %dma_wait3A = arith.constant 0 : i32
    %dma_wait3A_644 = arith.constant 0 : i32
    %dma_wait3A_645 = arith.constant 0 : i32
    %dma_wait3A_646 = arith.constant 0 : i32
    %dma_wait3A_647 = tpu.memref_slice %arg8[%dma_wait3A_644, %dma_wait3A_645, %dma_wait3A_646] : memref<4x128x128xf32, #tpu.memory_space<vmem>> -> memref<1x128x128xf32, #tpu.memory_space<vmem>>
    %dma_wait3A_648 = tpu.memref_squeeze %dma_wait3A_647 : memref<1x128x128xf32, #tpu.memory_space<vmem>> -> memref<128x128xf32, #tpu.memory_space<vmem>>
    %dma_wait3A_649 = arith.constant 0 : i32
    %dma_wait3A_650 = tpu.memref_slice %arg7[%dma_wait3A, %dma_wait3A_649] : memref<8x128xi32, #tpu.memory_space<vmem>> -> memref<1x128xi32, #tpu.memory_space<vmem>>
    %dma_wait3A_651 = tpu.memref_squeeze %dma_wait3A_650 : memref<1x128xi32, #tpu.memory_space<vmem>> -> memref<128xi32, #tpu.memory_space<vmem>>
    %dma_wait3A_652 = arith.constant 0 : i32
    %dma_wait3A_653 = arith.constant 0 : i32
    %dma_wait3A_654 = tpu.memref_slice %arg2[%dma_wait3A_652, %dma_wait3A_653] : memref<65536x128xf32, #tpu.memory_space<hbm>> -> memref<65536x128xf32, #tpu.memory_space<hbm>>
    tpu.wait_indirect_dma semaphore(%arg12 : memref<!tpu.dma_semaphore, #tpu.memory_space<semaphore_mem>>) src(%dma_wait3A_654 : memref<65536x128xf32, #tpu.memory_space<hbm>>) dst(%dma_wait3A_648 : memref<128x128xf32, #tpu.memory_space<vmem>>)
    %dma_wait3A_655 = arith.constant 1 : i32
    %dma_wait3A_656 = arith.constant 1 : i32
    %dma_wait3A_657 = arith.constant 0 : i32
    %dma_wait3A_658 = arith.constant 0 : i32
    %dma_wait3A_659 = tpu.memref_slice %arg8[%dma_wait3A_656, %dma_wait3A_657, %dma_wait3A_658] : memref<4x128x128xf32, #tpu.memory_space<vmem>> -> memref<1x128x128xf32, #tpu.memory_space<vmem>>
    %dma_wait3A_660 = tpu.memref_squeeze %dma_wait3A_659 : memref<1x128x128xf32, #tpu.memory_space<vmem>> -> memref<128x128xf32, #tpu.memory_space<vmem>>
    %dma_wait3A_661 = arith.constant 0 : i32
    %dma_wait3A_662 = tpu.memref_slice %arg7[%dma_wait3A_655, %dma_wait3A_661] : memref<8x128xi32, #tpu.memory_space<vmem>> -> memref<1x128xi32, #tpu.memory_space<vmem>>
    %dma_wait3A_663 = tpu.memref_squeeze %dma_wait3A_662 : memref<1x128xi32, #tpu.memory_space<vmem>> -> memref<128xi32, #tpu.memory_space<vmem>>
    %dma_wait3A_664 = arith.constant 0 : i32
    %dma_wait3A_665 = arith.constant 0 : i32
    %dma_wait3A_666 = tpu.memref_slice %arg2[%dma_wait3A_664, %dma_wait3A_665] : memref<65536x128xf32, #tpu.memory_space<hbm>> -> memref<65536x128xf32, #tpu.memory_space<hbm>>
    tpu.wait_indirect_dma semaphore(%arg12 : memref<!tpu.dma_semaphore, #tpu.memory_space<semaphore_mem>>) src(%dma_wait3A_666 : memref<65536x128xf32, #tpu.memory_space<hbm>>) dst(%dma_wait3A_660 : memref<128x128xf32, #tpu.memory_space<vmem>>)
    %dma_wait3A_667 = arith.constant 2 : i32
    %dma_wait3A_668 = arith.constant 2 : i32
    %dma_wait3A_669 = arith.constant 0 : i32
    %dma_wait3A_670 = arith.constant 0 : i32
    %dma_wait3A_671 = tpu.memref_slice %arg8[%dma_wait3A_668, %dma_wait3A_669, %dma_wait3A_670] : memref<4x128x128xf32, #tpu.memory_space<vmem>> -> memref<1x128x128xf32, #tpu.memory_space<vmem>>
    %dma_wait3A_672 = tpu.memref_squeeze %dma_wait3A_671 : memref<1x128x128xf32, #tpu.memory_space<vmem>> -> memref<128x128xf32, #tpu.memory_space<vmem>>
    %dma_wait3A_673 = arith.constant 0 : i32
    %dma_wait3A_674 = tpu.memref_slice %arg7[%dma_wait3A_667, %dma_wait3A_673] : memref<8x128xi32, #tpu.memory_space<vmem>> -> memref<1x128xi32, #tpu.memory_space<vmem>>
    %dma_wait3A_675 = tpu.memref_squeeze %dma_wait3A_674 : memref<1x128xi32, #tpu.memory_space<vmem>> -> memref<128xi32, #tpu.memory_space<vmem>>
    %dma_wait3A_676 = arith.constant 0 : i32
    %dma_wait3A_677 = arith.constant 0 : i32
    %dma_wait3A_678 = tpu.memref_slice %arg2[%dma_wait3A_676, %dma_wait3A_677] : memref<65536x128xf32, #tpu.memory_space<hbm>> -> memref<65536x128xf32, #tpu.memory_space<hbm>>
    tpu.wait_indirect_dma semaphore(%arg12 : memref<!tpu.dma_semaphore, #tpu.memory_space<semaphore_mem>>) src(%dma_wait3A_678 : memref<65536x128xf32, #tpu.memory_space<hbm>>) dst(%dma_wait3A_672 : memref<128x128xf32, #tpu.memory_space<vmem>>)
    %dma_wait3A_679 = arith.constant 3 : i32
    %dma_wait3A_680 = arith.constant 3 : i32
    %dma_wait3A_681 = arith.constant 0 : i32
    %dma_wait3A_682 = arith.constant 0 : i32
    %dma_wait3A_683 = tpu.memref_slice %arg8[%dma_wait3A_680, %dma_wait3A_681, %dma_wait3A_682] : memref<4x128x128xf32, #tpu.memory_space<vmem>> -> memref<1x128x128xf32, #tpu.memory_space<vmem>>
    %dma_wait3A_684 = tpu.memref_squeeze %dma_wait3A_683 : memref<1x128x128xf32, #tpu.memory_space<vmem>> -> memref<128x128xf32, #tpu.memory_space<vmem>>
    %dma_wait3A_685 = arith.constant 0 : i32
    %dma_wait3A_686 = tpu.memref_slice %arg7[%dma_wait3A_679, %dma_wait3A_685] : memref<8x128xi32, #tpu.memory_space<vmem>> -> memref<1x128xi32, #tpu.memory_space<vmem>>
    %dma_wait3A_687 = tpu.memref_squeeze %dma_wait3A_686 : memref<1x128xi32, #tpu.memory_space<vmem>> -> memref<128xi32, #tpu.memory_space<vmem>>
    %dma_wait3A_688 = arith.constant 0 : i32
    %dma_wait3A_689 = arith.constant 0 : i32
    %dma_wait3A_690 = tpu.memref_slice %arg2[%dma_wait3A_688, %dma_wait3A_689] : memref<65536x128xf32, #tpu.memory_space<hbm>> -> memref<65536x128xf32, #tpu.memory_space<hbm>>
    tpu.wait_indirect_dma semaphore(%arg12 : memref<!tpu.dma_semaphore, #tpu.memory_space<semaphore_mem>>) src(%dma_wait3A_690 : memref<65536x128xf32, #tpu.memory_space<hbm>>) dst(%dma_wait3A_684 : memref<128x128xf32, #tpu.memory_space<vmem>>)
    %add3A_691 = arith.constant 0 : i32
    %add3A_692 = arith.addi %mul3A_2, %add3A_691 : i32
    %run_scoped3A = arith.constant 0 : i32
    "tpu.region"() ({
      %run_scoped3A_873 = tpu.sem_alloc : memref<!tpu.dma_semaphore, #tpu.memory_space<semaphore_mem>>
      %dma_start3A_874 = arith.constant 0 : i32
      %dma_start3A_875 = arith.constant 0 : i32
      %dma_start3A_876 = tpu.memref_slice %arg8[%run_scoped3A, %dma_start3A_874, %dma_start3A_875] : memref<4x128x128xf32, #tpu.memory_space<vmem>> -> memref<1x128x128xf32, #tpu.memory_space<vmem>>
      %dma_start3A_877 = tpu.memref_squeeze %dma_start3A_876 : memref<1x128x128xf32, #tpu.memory_space<vmem>> -> memref<128x128xf32, #tpu.memory_space<vmem>>
      %dma_start3A_878 = arith.constant 0 : i32
      %dma_start3A_879 = tpu.memref_slice %arg5[%add3A_692, %dma_start3A_878] : memref<32768x128xf32, #tpu.memory_space<hbm>> -> memref<128x128xf32, #tpu.memory_space<hbm>>
      %dma_start3A_880 = arith.constant 0 : i32
      %dma_start3A_881 = tpu.memref_slice %arg5[%add3A_692, %dma_start3A_880] : memref<32768x128xf32, #tpu.memory_space<hbm>> -> memref<128x128xf32, #tpu.memory_space<hbm>>
      %dma_start3A_882 = arith.constant 0 : i32
      %dma_start3A_883 = arith.constant 0 : i32
      %dma_start3A_884 = tpu.memref_slice %arg8[%run_scoped3A, %dma_start3A_882, %dma_start3A_883] : memref<4x128x128xf32, #tpu.memory_space<vmem>> -> memref<1x128x128xf32, #tpu.memory_space<vmem>>
      %dma_start3A_885 = tpu.memref_squeeze %dma_start3A_884 : memref<1x128x128xf32, #tpu.memory_space<vmem>> -> memref<128x128xf32, #tpu.memory_space<vmem>>
      tpu.enqueue_dma source(%dma_start3A_885 : memref<128x128xf32, #tpu.memory_space<vmem>>) target(%dma_start3A_881 : memref<128x128xf32, #tpu.memory_space<hbm>>) target_semaphore(%run_scoped3A_873 : memref<!tpu.dma_semaphore, #tpu.memory_space<semaphore_mem>>)
      %dma_wait3A_886 = arith.constant 0 : i32
      %dma_wait3A_887 = arith.constant 0 : i32
      %dma_wait3A_888 = tpu.memref_slice %arg8[%run_scoped3A, %dma_wait3A_886, %dma_wait3A_887] : memref<4x128x128xf32, #tpu.memory_space<vmem>> -> memref<1x128x128xf32, #tpu.memory_space<vmem>>
      %dma_wait3A_889 = tpu.memref_squeeze %dma_wait3A_888 : memref<1x128x128xf32, #tpu.memory_space<vmem>> -> memref<128x128xf32, #tpu.memory_space<vmem>>
      %dma_wait3A_890 = arith.constant 0 : i32
      %dma_wait3A_891 = tpu.memref_slice %arg5[%add3A_692, %dma_wait3A_890] : memref<32768x128xf32, #tpu.memory_space<hbm>> -> memref<128x128xf32, #tpu.memory_space<hbm>>
      %dma_wait3A_892 = arith.constant 0 : i32
      %dma_wait3A_893 = tpu.memref_slice %arg5[%add3A_692, %dma_wait3A_892] : memref<32768x128xf32, #tpu.memory_space<hbm>> -> memref<128x128xf32, #tpu.memory_space<hbm>>
      %dma_wait3A_894 = arith.constant 0 : i32
      %dma_wait3A_895 = arith.constant 0 : i32
      %dma_wait3A_896 = tpu.memref_slice %arg8[%run_scoped3A, %dma_wait3A_894, %dma_wait3A_895] : memref<4x128x128xf32, #tpu.memory_space<vmem>> -> memref<1x128x128xf32, #tpu.memory_space<vmem>>
      %dma_wait3A_897 = tpu.memref_squeeze %dma_wait3A_896 : memref<1x128x128xf32, #tpu.memory_space<vmem>> -> memref<128x128xf32, #tpu.memory_space<vmem>>
      tpu.wait_dma2 semaphore(%run_scoped3A_873 : memref<!tpu.dma_semaphore, #tpu.memory_space<semaphore_mem>>) src(%dma_wait3A_897 : memref<128x128xf32, #tpu.memory_space<vmem>>) dst(%dma_wait3A_893 : memref<128x128xf32, #tpu.memory_space<hbm>>)
      tpu.yield
    }) : () -> ()
    %add3A_693 = arith.constant 128 : i32
    %add3A_694 = arith.addi %mul3A_2, %add3A_693 : i32
    %run_scoped3A_695 = arith.constant 1 : i32
    "tpu.region"() ({
      %run_scoped3A_873 = tpu.sem_alloc : memref<!tpu.dma_semaphore, #tpu.memory_space<semaphore_mem>>
      %dma_start3A_874 = arith.constant 0 : i32
      %dma_start3A_875 = arith.constant 0 : i32
      %dma_start3A_876 = tpu.memref_slice %arg8[%run_scoped3A_695, %dma_start3A_874, %dma_start3A_875] : memref<4x128x128xf32, #tpu.memory_space<vmem>> -> memref<1x128x128xf32, #tpu.memory_space<vmem>>
      %dma_start3A_877 = tpu.memref_squeeze %dma_start3A_876 : memref<1x128x128xf32, #tpu.memory_space<vmem>> -> memref<128x128xf32, #tpu.memory_space<vmem>>
      %dma_start3A_878 = arith.constant 0 : i32
      %dma_start3A_879 = tpu.memref_slice %arg5[%add3A_694, %dma_start3A_878] : memref<32768x128xf32, #tpu.memory_space<hbm>> -> memref<128x128xf32, #tpu.memory_space<hbm>>
      %dma_start3A_880 = arith.constant 0 : i32
      %dma_start3A_881 = tpu.memref_slice %arg5[%add3A_694, %dma_start3A_880] : memref<32768x128xf32, #tpu.memory_space<hbm>> -> memref<128x128xf32, #tpu.memory_space<hbm>>
      %dma_start3A_882 = arith.constant 0 : i32
      %dma_start3A_883 = arith.constant 0 : i32
      %dma_start3A_884 = tpu.memref_slice %arg8[%run_scoped3A_695, %dma_start3A_882, %dma_start3A_883] : memref<4x128x128xf32, #tpu.memory_space<vmem>> -> memref<1x128x128xf32, #tpu.memory_space<vmem>>
      %dma_start3A_885 = tpu.memref_squeeze %dma_start3A_884 : memref<1x128x128xf32, #tpu.memory_space<vmem>> -> memref<128x128xf32, #tpu.memory_space<vmem>>
      tpu.enqueue_dma source(%dma_start3A_885 : memref<128x128xf32, #tpu.memory_space<vmem>>) target(%dma_start3A_881 : memref<128x128xf32, #tpu.memory_space<hbm>>) target_semaphore(%run_scoped3A_873 : memref<!tpu.dma_semaphore, #tpu.memory_space<semaphore_mem>>)
      %dma_wait3A_886 = arith.constant 0 : i32
      %dma_wait3A_887 = arith.constant 0 : i32
      %dma_wait3A_888 = tpu.memref_slice %arg8[%run_scoped3A_695, %dma_wait3A_886, %dma_wait3A_887] : memref<4x128x128xf32, #tpu.memory_space<vmem>> -> memref<1x128x128xf32, #tpu.memory_space<vmem>>
      %dma_wait3A_889 = tpu.memref_squeeze %dma_wait3A_888 : memref<1x128x128xf32, #tpu.memory_space<vmem>> -> memref<128x128xf32, #tpu.memory_space<vmem>>
      %dma_wait3A_890 = arith.constant 0 : i32
      %dma_wait3A_891 = tpu.memref_slice %arg5[%add3A_694, %dma_wait3A_890] : memref<32768x128xf32, #tpu.memory_space<hbm>> -> memref<128x128xf32, #tpu.memory_space<hbm>>
      %dma_wait3A_892 = arith.constant 0 : i32
      %dma_wait3A_893 = tpu.memref_slice %arg5[%add3A_694, %dma_wait3A_892] : memref<32768x128xf32, #tpu.memory_space<hbm>> -> memref<128x128xf32, #tpu.memory_space<hbm>>
      %dma_wait3A_894 = arith.constant 0 : i32
      %dma_wait3A_895 = arith.constant 0 : i32
      %dma_wait3A_896 = tpu.memref_slice %arg8[%run_scoped3A_695, %dma_wait3A_894, %dma_wait3A_895] : memref<4x128x128xf32, #tpu.memory_space<vmem>> -> memref<1x128x128xf32, #tpu.memory_space<vmem>>
      %dma_wait3A_897 = tpu.memref_squeeze %dma_wait3A_896 : memref<1x128x128xf32, #tpu.memory_space<vmem>> -> memref<128x128xf32, #tpu.memory_space<vmem>>
      tpu.wait_dma2 semaphore(%run_scoped3A_873 : memref<!tpu.dma_semaphore, #tpu.memory_space<semaphore_mem>>) src(%dma_wait3A_897 : memref<128x128xf32, #tpu.memory_space<vmem>>) dst(%dma_wait3A_893 : memref<128x128xf32, #tpu.memory_space<hbm>>)
      tpu.yield
    }) : () -> ()
    %add3A_696 = arith.constant 256 : i32
    %add3A_697 = arith.addi %mul3A_2, %add3A_696 : i32
    %run_scoped3A_698 = arith.constant 2 : i32
    "tpu.region"() ({
      %run_scoped3A_873 = tpu.sem_alloc : memref<!tpu.dma_semaphore, #tpu.memory_space<semaphore_mem>>
      %dma_start3A_874 = arith.constant 0 : i32
      %dma_start3A_875 = arith.constant 0 : i32
      %dma_start3A_876 = tpu.memref_slice %arg8[%run_scoped3A_698, %dma_start3A_874, %dma_start3A_875] : memref<4x128x128xf32, #tpu.memory_space<vmem>> -> memref<1x128x128xf32, #tpu.memory_space<vmem>>
      %dma_start3A_877 = tpu.memref_squeeze %dma_start3A_876 : memref<1x128x128xf32, #tpu.memory_space<vmem>> -> memref<128x128xf32, #tpu.memory_space<vmem>>
      %dma_start3A_878 = arith.constant 0 : i32
      %dma_start3A_879 = tpu.memref_slice %arg5[%add3A_697, %dma_start3A_878] : memref<32768x128xf32, #tpu.memory_space<hbm>> -> memref<128x128xf32, #tpu.memory_space<hbm>>
      %dma_start3A_880 = arith.constant 0 : i32
      %dma_start3A_881 = tpu.memref_slice %arg5[%add3A_697, %dma_start3A_880] : memref<32768x128xf32, #tpu.memory_space<hbm>> -> memref<128x128xf32, #tpu.memory_space<hbm>>
      %dma_start3A_882 = arith.constant 0 : i32
      %dma_start3A_883 = arith.constant 0 : i32
      %dma_start3A_884 = tpu.memref_slice %arg8[%run_scoped3A_698, %dma_start3A_882, %dma_start3A_883] : memref<4x128x128xf32, #tpu.memory_space<vmem>> -> memref<1x128x128xf32, #tpu.memory_space<vmem>>
      %dma_start3A_885 = tpu.memref_squeeze %dma_start3A_884 : memref<1x128x128xf32, #tpu.memory_space<vmem>> -> memref<128x128xf32, #tpu.memory_space<vmem>>
      tpu.enqueue_dma source(%dma_start3A_885 : memref<128x128xf32, #tpu.memory_space<vmem>>) target(%dma_start3A_881 : memref<128x128xf32, #tpu.memory_space<hbm>>) target_semaphore(%run_scoped3A_873 : memref<!tpu.dma_semaphore, #tpu.memory_space<semaphore_mem>>)
      %dma_wait3A_886 = arith.constant 0 : i32
      %dma_wait3A_887 = arith.constant 0 : i32
      %dma_wait3A_888 = tpu.memref_slice %arg8[%run_scoped3A_698, %dma_wait3A_886, %dma_wait3A_887] : memref<4x128x128xf32, #tpu.memory_space<vmem>> -> memref<1x128x128xf32, #tpu.memory_space<vmem>>
      %dma_wait3A_889 = tpu.memref_squeeze %dma_wait3A_888 : memref<1x128x128xf32, #tpu.memory_space<vmem>> -> memref<128x128xf32, #tpu.memory_space<vmem>>
      %dma_wait3A_890 = arith.constant 0 : i32
      %dma_wait3A_891 = tpu.memref_slice %arg5[%add3A_697, %dma_wait3A_890] : memref<32768x128xf32, #tpu.memory_space<hbm>> -> memref<128x128xf32, #tpu.memory_space<hbm>>
      %dma_wait3A_892 = arith.constant 0 : i32
      %dma_wait3A_893 = tpu.memref_slice %arg5[%add3A_697, %dma_wait3A_892] : memref<32768x128xf32, #tpu.memory_space<hbm>> -> memref<128x128xf32, #tpu.memory_space<hbm>>
      %dma_wait3A_894 = arith.constant 0 : i32
      %dma_wait3A_895 = arith.constant 0 : i32
      %dma_wait3A_896 = tpu.memref_slice %arg8[%run_scoped3A_698, %dma_wait3A_894, %dma_wait3A_895] : memref<4x128x128xf32, #tpu.memory_space<vmem>> -> memref<1x128x128xf32, #tpu.memory_space<vmem>>
      %dma_wait3A_897 = tpu.memref_squeeze %dma_wait3A_896 : memref<1x128x128xf32, #tpu.memory_space<vmem>> -> memref<128x128xf32, #tpu.memory_space<vmem>>
      tpu.wait_dma2 semaphore(%run_scoped3A_873 : memref<!tpu.dma_semaphore, #tpu.memory_space<semaphore_mem>>) src(%dma_wait3A_897 : memref<128x128xf32, #tpu.memory_space<vmem>>) dst(%dma_wait3A_893 : memref<128x128xf32, #tpu.memory_space<hbm>>)
      tpu.yield
    }) : () -> ()
    %add3A_699 = arith.constant 384 : i32
    %add3A_700 = arith.addi %mul3A_2, %add3A_699 : i32
    %run_scoped3A_701 = arith.constant 3 : i32
    "tpu.region"() ({
      %run_scoped3A_873 = tpu.sem_alloc : memref<!tpu.dma_semaphore, #tpu.memory_space<semaphore_mem>>
      %dma_start3A_874 = arith.constant 0 : i32
      %dma_start3A_875 = arith.constant 0 : i32
      %dma_start3A_876 = tpu.memref_slice %arg8[%run_scoped3A_701, %dma_start3A_874, %dma_start3A_875] : memref<4x128x128xf32, #tpu.memory_space<vmem>> -> memref<1x128x128xf32, #tpu.memory_space<vmem>>
      %dma_start3A_877 = tpu.memref_squeeze %dma_start3A_876 : memref<1x128x128xf32, #tpu.memory_space<vmem>> -> memref<128x128xf32, #tpu.memory_space<vmem>>
      %dma_start3A_878 = arith.constant 0 : i32
      %dma_start3A_879 = tpu.memref_slice %arg5[%add3A_700, %dma_start3A_878] : memref<32768x128xf32, #tpu.memory_space<hbm>> -> memref<128x128xf32, #tpu.memory_space<hbm>>
      %dma_start3A_880 = arith.constant 0 : i32
      %dma_start3A_881 = tpu.memref_slice %arg5[%add3A_700, %dma_start3A_880] : memref<32768x128xf32, #tpu.memory_space<hbm>> -> memref<128x128xf32, #tpu.memory_space<hbm>>
      %dma_start3A_882 = arith.constant 0 : i32
      %dma_start3A_883 = arith.constant 0 : i32
      %dma_start3A_884 = tpu.memref_slice %arg8[%run_scoped3A_701, %dma_start3A_882, %dma_start3A_883] : memref<4x128x128xf32, #tpu.memory_space<vmem>> -> memref<1x128x128xf32, #tpu.memory_space<vmem>>
      %dma_start3A_885 = tpu.memref_squeeze %dma_start3A_884 : memref<1x128x128xf32, #tpu.memory_space<vmem>> -> memref<128x128xf32, #tpu.memory_space<vmem>>
      tpu.enqueue_dma source(%dma_start3A_885 : memref<128x128xf32, #tpu.memory_space<vmem>>) target(%dma_start3A_881 : memref<128x128xf32, #tpu.memory_space<hbm>>) target_semaphore(%run_scoped3A_873 : memref<!tpu.dma_semaphore, #tpu.memory_space<semaphore_mem>>)
      %dma_wait3A_886 = arith.constant 0 : i32
      %dma_wait3A_887 = arith.constant 0 : i32
      %dma_wait3A_888 = tpu.memref_slice %arg8[%run_scoped3A_701, %dma_wait3A_886, %dma_wait3A_887] : memref<4x128x128xf32, #tpu.memory_space<vmem>> -> memref<1x128x128xf32, #tpu.memory_space<vmem>>
      %dma_wait3A_889 = tpu.memref_squeeze %dma_wait3A_888 : memref<1x128x128xf32, #tpu.memory_space<vmem>> -> memref<128x128xf32, #tpu.memory_space<vmem>>
      %dma_wait3A_890 = arith.constant 0 : i32
      %dma_wait3A_891 = tpu.memref_slice %arg5[%add3A_700, %dma_wait3A_890] : memref<32768x128xf32, #tpu.memory_space<hbm>> -> memref<128x128xf32, #tpu.memory_space<hbm>>
      %dma_wait3A_892 = arith.constant 0 : i32
      %dma_wait3A_893 = tpu.memref_slice %arg5[%add3A_700, %dma_wait3A_892] : memref<32768x128xf32, #tpu.memory_space<hbm>> -> memref<128x128xf32, #tpu.memory_space<hbm>>
      %dma_wait3A_894 = arith.constant 0 : i32
      %dma_wait3A_895 = arith.constant 0 : i32
      %dma_wait3A_896 = tpu.memref_slice %arg8[%run_scoped3A_701, %dma_wait3A_894, %dma_wait3A_895] : memref<4x128x128xf32, #tpu.memory_space<vmem>> -> memref<1x128x128xf32, #tpu.memory_space<vmem>>
      %dma_wait3A_897 = tpu.memref_squeeze %dma_wait3A_896 : memref<1x128x128xf32, #tpu.memory_space<vmem>> -> memref<128x128xf32, #tpu.memory_space<vmem>>
      tpu.wait_dma2 semaphore(%run_scoped3A_873 : memref<!tpu.dma_semaphore, #tpu.memory_space<semaphore_mem>>) src(%dma_wait3A_897 : memref<128x128xf32, #tpu.memory_space<vmem>>) dst(%dma_wait3A_893 : memref<128x128xf32, #tpu.memory_space<hbm>>)
      tpu.yield
    }) : () -> ()
    %dma_start3A_702 = arith.constant 4 : i32
    %dma_start3A_703 = arith.constant 0 : i32
    %dma_start3A_704 = arith.constant 0 : i32
    %dma_start3A_705 = arith.constant 0 : i32
    %dma_start3A_706 = tpu.memref_slice %arg8[%dma_start3A_703, %dma_start3A_704, %dma_start3A_705] : memref<4x128x128xf32, #tpu.memory_space<vmem>> -> memref<1x128x128xf32, #tpu.memory_space<vmem>>
    %dma_start3A_707 = tpu.memref_squeeze %dma_start3A_706 : memref<1x128x128xf32, #tpu.memory_space<vmem>> -> memref<128x128xf32, #tpu.memory_space<vmem>>
    %dma_start3A_708 = arith.constant 0 : i32
    %dma_start3A_709 = tpu.memref_slice %arg7[%dma_start3A_702, %dma_start3A_708] : memref<8x128xi32, #tpu.memory_space<vmem>> -> memref<1x128xi32, #tpu.memory_space<vmem>>
    %dma_start3A_710 = tpu.memref_squeeze %dma_start3A_709 : memref<1x128xi32, #tpu.memory_space<vmem>> -> memref<128xi32, #tpu.memory_space<vmem>>
    %dma_start3A_711 = arith.constant 0 : i32
    %dma_start3A_712 = arith.constant 0 : i32
    %dma_start3A_713 = tpu.memref_slice %arg2[%dma_start3A_711, %dma_start3A_712] : memref<65536x128xf32, #tpu.memory_space<hbm>> -> memref<65536x128xf32, #tpu.memory_space<hbm>>
    tpu.enqueue_indirect_dma source(%dma_start3A_713 : memref<65536x128xf32, #tpu.memory_space<hbm>>) target(%dma_start3A_707 : memref<128x128xf32, #tpu.memory_space<vmem>>) offsets(%dma_start3A_710 : memref<128xi32, #tpu.memory_space<vmem>>) semaphore(%arg12 : memref<!tpu.dma_semaphore, #tpu.memory_space<semaphore_mem>>)
    %dma_start3A_714 = arith.constant 5 : i32
    %dma_start3A_715 = arith.constant 1 : i32
    %dma_start3A_716 = arith.constant 0 : i32
    %dma_start3A_717 = arith.constant 0 : i32
    %dma_start3A_718 = tpu.memref_slice %arg8[%dma_start3A_715, %dma_start3A_716, %dma_start3A_717] : memref<4x128x128xf32, #tpu.memory_space<vmem>> -> memref<1x128x128xf32, #tpu.memory_space<vmem>>
    %dma_start3A_719 = tpu.memref_squeeze %dma_start3A_718 : memref<1x128x128xf32, #tpu.memory_space<vmem>> -> memref<128x128xf32, #tpu.memory_space<vmem>>
    %dma_start3A_720 = arith.constant 0 : i32
    %dma_start3A_721 = tpu.memref_slice %arg7[%dma_start3A_714, %dma_start3A_720] : memref<8x128xi32, #tpu.memory_space<vmem>> -> memref<1x128xi32, #tpu.memory_space<vmem>>
    %dma_start3A_722 = tpu.memref_squeeze %dma_start3A_721 : memref<1x128xi32, #tpu.memory_space<vmem>> -> memref<128xi32, #tpu.memory_space<vmem>>
    %dma_start3A_723 = arith.constant 0 : i32
    %dma_start3A_724 = arith.constant 0 : i32
    %dma_start3A_725 = tpu.memref_slice %arg2[%dma_start3A_723, %dma_start3A_724] : memref<65536x128xf32, #tpu.memory_space<hbm>> -> memref<65536x128xf32, #tpu.memory_space<hbm>>
    tpu.enqueue_indirect_dma source(%dma_start3A_725 : memref<65536x128xf32, #tpu.memory_space<hbm>>) target(%dma_start3A_719 : memref<128x128xf32, #tpu.memory_space<vmem>>) offsets(%dma_start3A_722 : memref<128xi32, #tpu.memory_space<vmem>>) semaphore(%arg12 : memref<!tpu.dma_semaphore, #tpu.memory_space<semaphore_mem>>)
    %dma_start3A_726 = arith.constant 6 : i32
    %dma_start3A_727 = arith.constant 2 : i32
    %dma_start3A_728 = arith.constant 0 : i32
    %dma_start3A_729 = arith.constant 0 : i32
    %dma_start3A_730 = tpu.memref_slice %arg8[%dma_start3A_727, %dma_start3A_728, %dma_start3A_729] : memref<4x128x128xf32, #tpu.memory_space<vmem>> -> memref<1x128x128xf32, #tpu.memory_space<vmem>>
    %dma_start3A_731 = tpu.memref_squeeze %dma_start3A_730 : memref<1x128x128xf32, #tpu.memory_space<vmem>> -> memref<128x128xf32, #tpu.memory_space<vmem>>
    %dma_start3A_732 = arith.constant 0 : i32
    %dma_start3A_733 = tpu.memref_slice %arg7[%dma_start3A_726, %dma_start3A_732] : memref<8x128xi32, #tpu.memory_space<vmem>> -> memref<1x128xi32, #tpu.memory_space<vmem>>
    %dma_start3A_734 = tpu.memref_squeeze %dma_start3A_733 : memref<1x128xi32, #tpu.memory_space<vmem>> -> memref<128xi32, #tpu.memory_space<vmem>>
    %dma_start3A_735 = arith.constant 0 : i32
    %dma_start3A_736 = arith.constant 0 : i32
    %dma_start3A_737 = tpu.memref_slice %arg2[%dma_start3A_735, %dma_start3A_736] : memref<65536x128xf32, #tpu.memory_space<hbm>> -> memref<65536x128xf32, #tpu.memory_space<hbm>>
    tpu.enqueue_indirect_dma source(%dma_start3A_737 : memref<65536x128xf32, #tpu.memory_space<hbm>>) target(%dma_start3A_731 : memref<128x128xf32, #tpu.memory_space<vmem>>) offsets(%dma_start3A_734 : memref<128xi32, #tpu.memory_space<vmem>>) semaphore(%arg12 : memref<!tpu.dma_semaphore, #tpu.memory_space<semaphore_mem>>)
    %dma_start3A_738 = arith.constant 7 : i32
    %dma_start3A_739 = arith.constant 3 : i32
    %dma_start3A_740 = arith.constant 0 : i32
    %dma_start3A_741 = arith.constant 0 : i32
    %dma_start3A_742 = tpu.memref_slice %arg8[%dma_start3A_739, %dma_start3A_740, %dma_start3A_741] : memref<4x128x128xf32, #tpu.memory_space<vmem>> -> memref<1x128x128xf32, #tpu.memory_space<vmem>>
    %dma_start3A_743 = tpu.memref_squeeze %dma_start3A_742 : memref<1x128x128xf32, #tpu.memory_space<vmem>> -> memref<128x128xf32, #tpu.memory_space<vmem>>
    %dma_start3A_744 = arith.constant 0 : i32
    %dma_start3A_745 = tpu.memref_slice %arg7[%dma_start3A_738, %dma_start3A_744] : memref<8x128xi32, #tpu.memory_space<vmem>> -> memref<1x128xi32, #tpu.memory_space<vmem>>
    %dma_start3A_746 = tpu.memref_squeeze %dma_start3A_745 : memref<1x128xi32, #tpu.memory_space<vmem>> -> memref<128xi32, #tpu.memory_space<vmem>>
    %dma_start3A_747 = arith.constant 0 : i32
    %dma_start3A_748 = arith.constant 0 : i32
    %dma_start3A_749 = tpu.memref_slice %arg2[%dma_start3A_747, %dma_start3A_748] : memref<65536x128xf32, #tpu.memory_space<hbm>> -> memref<65536x128xf32, #tpu.memory_space<hbm>>
    tpu.enqueue_indirect_dma source(%dma_start3A_749 : memref<65536x128xf32, #tpu.memory_space<hbm>>) target(%dma_start3A_743 : memref<128x128xf32, #tpu.memory_space<vmem>>) offsets(%dma_start3A_746 : memref<128xi32, #tpu.memory_space<vmem>>) semaphore(%arg12 : memref<!tpu.dma_semaphore, #tpu.memory_space<semaphore_mem>>)
    %dma_wait3A_750 = arith.constant 4 : i32
    %dma_wait3A_751 = arith.constant 0 : i32
    %dma_wait3A_752 = arith.constant 0 : i32
    %dma_wait3A_753 = arith.constant 0 : i32
    %dma_wait3A_754 = tpu.memref_slice %arg8[%dma_wait3A_751, %dma_wait3A_752, %dma_wait3A_753] : memref<4x128x128xf32, #tpu.memory_space<vmem>> -> memref<1x128x128xf32, #tpu.memory_space<vmem>>
    %dma_wait3A_755 = tpu.memref_squeeze %dma_wait3A_754 : memref<1x128x128xf32, #tpu.memory_space<vmem>> -> memref<128x128xf32, #tpu.memory_space<vmem>>
    %dma_wait3A_756 = arith.constant 0 : i32
    %dma_wait3A_757 = tpu.memref_slice %arg7[%dma_wait3A_750, %dma_wait3A_756] : memref<8x128xi32, #tpu.memory_space<vmem>> -> memref<1x128xi32, #tpu.memory_space<vmem>>
    %dma_wait3A_758 = tpu.memref_squeeze %dma_wait3A_757 : memref<1x128xi32, #tpu.memory_space<vmem>> -> memref<128xi32, #tpu.memory_space<vmem>>
    %dma_wait3A_759 = arith.constant 0 : i32
    %dma_wait3A_760 = arith.constant 0 : i32
    %dma_wait3A_761 = tpu.memref_slice %arg2[%dma_wait3A_759, %dma_wait3A_760] : memref<65536x128xf32, #tpu.memory_space<hbm>> -> memref<65536x128xf32, #tpu.memory_space<hbm>>
    tpu.wait_indirect_dma semaphore(%arg12 : memref<!tpu.dma_semaphore, #tpu.memory_space<semaphore_mem>>) src(%dma_wait3A_761 : memref<65536x128xf32, #tpu.memory_space<hbm>>) dst(%dma_wait3A_755 : memref<128x128xf32, #tpu.memory_space<vmem>>)
    %dma_wait3A_762 = arith.constant 5 : i32
    %dma_wait3A_763 = arith.constant 1 : i32
    %dma_wait3A_764 = arith.constant 0 : i32
    %dma_wait3A_765 = arith.constant 0 : i32
    %dma_wait3A_766 = tpu.memref_slice %arg8[%dma_wait3A_763, %dma_wait3A_764, %dma_wait3A_765] : memref<4x128x128xf32, #tpu.memory_space<vmem>> -> memref<1x128x128xf32, #tpu.memory_space<vmem>>
    %dma_wait3A_767 = tpu.memref_squeeze %dma_wait3A_766 : memref<1x128x128xf32, #tpu.memory_space<vmem>> -> memref<128x128xf32, #tpu.memory_space<vmem>>
    %dma_wait3A_768 = arith.constant 0 : i32
    %dma_wait3A_769 = tpu.memref_slice %arg7[%dma_wait3A_762, %dma_wait3A_768] : memref<8x128xi32, #tpu.memory_space<vmem>> -> memref<1x128xi32, #tpu.memory_space<vmem>>
    %dma_wait3A_770 = tpu.memref_squeeze %dma_wait3A_769 : memref<1x128xi32, #tpu.memory_space<vmem>> -> memref<128xi32, #tpu.memory_space<vmem>>
    %dma_wait3A_771 = arith.constant 0 : i32
    %dma_wait3A_772 = arith.constant 0 : i32
    %dma_wait3A_773 = tpu.memref_slice %arg2[%dma_wait3A_771, %dma_wait3A_772] : memref<65536x128xf32, #tpu.memory_space<hbm>> -> memref<65536x128xf32, #tpu.memory_space<hbm>>
    tpu.wait_indirect_dma semaphore(%arg12 : memref<!tpu.dma_semaphore, #tpu.memory_space<semaphore_mem>>) src(%dma_wait3A_773 : memref<65536x128xf32, #tpu.memory_space<hbm>>) dst(%dma_wait3A_767 : memref<128x128xf32, #tpu.memory_space<vmem>>)
    %dma_wait3A_774 = arith.constant 6 : i32
    %dma_wait3A_775 = arith.constant 2 : i32
    %dma_wait3A_776 = arith.constant 0 : i32
    %dma_wait3A_777 = arith.constant 0 : i32
    %dma_wait3A_778 = tpu.memref_slice %arg8[%dma_wait3A_775, %dma_wait3A_776, %dma_wait3A_777] : memref<4x128x128xf32, #tpu.memory_space<vmem>> -> memref<1x128x128xf32, #tpu.memory_space<vmem>>
    %dma_wait3A_779 = tpu.memref_squeeze %dma_wait3A_778 : memref<1x128x128xf32, #tpu.memory_space<vmem>> -> memref<128x128xf32, #tpu.memory_space<vmem>>
    %dma_wait3A_780 = arith.constant 0 : i32
    %dma_wait3A_781 = tpu.memref_slice %arg7[%dma_wait3A_774, %dma_wait3A_780] : memref<8x128xi32, #tpu.memory_space<vmem>> -> memref<1x128xi32, #tpu.memory_space<vmem>>
    %dma_wait3A_782 = tpu.memref_squeeze %dma_wait3A_781 : memref<1x128xi32, #tpu.memory_space<vmem>> -> memref<128xi32, #tpu.memory_space<vmem>>
    %dma_wait3A_783 = arith.constant 0 : i32
    %dma_wait3A_784 = arith.constant 0 : i32
    %dma_wait3A_785 = tpu.memref_slice %arg2[%dma_wait3A_783, %dma_wait3A_784] : memref<65536x128xf32, #tpu.memory_space<hbm>> -> memref<65536x128xf32, #tpu.memory_space<hbm>>
    tpu.wait_indirect_dma semaphore(%arg12 : memref<!tpu.dma_semaphore, #tpu.memory_space<semaphore_mem>>) src(%dma_wait3A_785 : memref<65536x128xf32, #tpu.memory_space<hbm>>) dst(%dma_wait3A_779 : memref<128x128xf32, #tpu.memory_space<vmem>>)
    %dma_wait3A_786 = arith.constant 7 : i32
    %dma_wait3A_787 = arith.constant 3 : i32
    %dma_wait3A_788 = arith.constant 0 : i32
    %dma_wait3A_789 = arith.constant 0 : i32
    %dma_wait3A_790 = tpu.memref_slice %arg8[%dma_wait3A_787, %dma_wait3A_788, %dma_wait3A_789] : memref<4x128x128xf32, #tpu.memory_space<vmem>> -> memref<1x128x128xf32, #tpu.memory_space<vmem>>
    %dma_wait3A_791 = tpu.memref_squeeze %dma_wait3A_790 : memref<1x128x128xf32, #tpu.memory_space<vmem>> -> memref<128x128xf32, #tpu.memory_space<vmem>>
    %dma_wait3A_792 = arith.constant 0 : i32
    %dma_wait3A_793 = tpu.memref_slice %arg7[%dma_wait3A_786, %dma_wait3A_792] : memref<8x128xi32, #tpu.memory_space<vmem>> -> memref<1x128xi32, #tpu.memory_space<vmem>>
    %dma_wait3A_794 = tpu.memref_squeeze %dma_wait3A_793 : memref<1x128xi32, #tpu.memory_space<vmem>> -> memref<128xi32, #tpu.memory_space<vmem>>
    %dma_wait3A_795 = arith.constant 0 : i32
    %dma_wait3A_796 = arith.constant 0 : i32
    %dma_wait3A_797 = tpu.memref_slice %arg2[%dma_wait3A_795, %dma_wait3A_796] : memref<65536x128xf32, #tpu.memory_space<hbm>> -> memref<65536x128xf32, #tpu.memory_space<hbm>>
    tpu.wait_indirect_dma semaphore(%arg12 : memref<!tpu.dma_semaphore, #tpu.memory_space<semaphore_mem>>) src(%dma_wait3A_797 : memref<65536x128xf32, #tpu.memory_space<hbm>>) dst(%dma_wait3A_791 : memref<128x128xf32, #tpu.memory_space<vmem>>)
    %add3A_798 = arith.constant 512 : i32
    %add3A_799 = arith.addi %mul3A_2, %add3A_798 : i32
    %run_scoped3A_800 = arith.constant 0 : i32
    "tpu.region"() ({
      %run_scoped3A_873 = tpu.sem_alloc : memref<!tpu.dma_semaphore, #tpu.memory_space<semaphore_mem>>
      %dma_start3A_874 = arith.constant 0 : i32
      %dma_start3A_875 = arith.constant 0 : i32
      %dma_start3A_876 = tpu.memref_slice %arg8[%run_scoped3A_800, %dma_start3A_874, %dma_start3A_875] : memref<4x128x128xf32, #tpu.memory_space<vmem>> -> memref<1x128x128xf32, #tpu.memory_space<vmem>>
      %dma_start3A_877 = tpu.memref_squeeze %dma_start3A_876 : memref<1x128x128xf32, #tpu.memory_space<vmem>> -> memref<128x128xf32, #tpu.memory_space<vmem>>
      %dma_start3A_878 = arith.constant 0 : i32
      %dma_start3A_879 = tpu.memref_slice %arg5[%add3A_799, %dma_start3A_878] : memref<32768x128xf32, #tpu.memory_space<hbm>> -> memref<128x128xf32, #tpu.memory_space<hbm>>
      %dma_start3A_880 = arith.constant 0 : i32
      %dma_start3A_881 = tpu.memref_slice %arg5[%add3A_799, %dma_start3A_880] : memref<32768x128xf32, #tpu.memory_space<hbm>> -> memref<128x128xf32, #tpu.memory_space<hbm>>
      %dma_start3A_882 = arith.constant 0 : i32
      %dma_start3A_883 = arith.constant 0 : i32
      %dma_start3A_884 = tpu.memref_slice %arg8[%run_scoped3A_800, %dma_start3A_882, %dma_start3A_883] : memref<4x128x128xf32, #tpu.memory_space<vmem>> -> memref<1x128x128xf32, #tpu.memory_space<vmem>>
      %dma_start3A_885 = tpu.memref_squeeze %dma_start3A_884 : memref<1x128x128xf32, #tpu.memory_space<vmem>> -> memref<128x128xf32, #tpu.memory_space<vmem>>
      tpu.enqueue_dma source(%dma_start3A_885 : memref<128x128xf32, #tpu.memory_space<vmem>>) target(%dma_start3A_881 : memref<128x128xf32, #tpu.memory_space<hbm>>) target_semaphore(%run_scoped3A_873 : memref<!tpu.dma_semaphore, #tpu.memory_space<semaphore_mem>>)
      %dma_wait3A_886 = arith.constant 0 : i32
      %dma_wait3A_887 = arith.constant 0 : i32
      %dma_wait3A_888 = tpu.memref_slice %arg8[%run_scoped3A_800, %dma_wait3A_886, %dma_wait3A_887] : memref<4x128x128xf32, #tpu.memory_space<vmem>> -> memref<1x128x128xf32, #tpu.memory_space<vmem>>
      %dma_wait3A_889 = tpu.memref_squeeze %dma_wait3A_888 : memref<1x128x128xf32, #tpu.memory_space<vmem>> -> memref<128x128xf32, #tpu.memory_space<vmem>>
      %dma_wait3A_890 = arith.constant 0 : i32
      %dma_wait3A_891 = tpu.memref_slice %arg5[%add3A_799, %dma_wait3A_890] : memref<32768x128xf32, #tpu.memory_space<hbm>> -> memref<128x128xf32, #tpu.memory_space<hbm>>
      %dma_wait3A_892 = arith.constant 0 : i32
      %dma_wait3A_893 = tpu.memref_slice %arg5[%add3A_799, %dma_wait3A_892] : memref<32768x128xf32, #tpu.memory_space<hbm>> -> memref<128x128xf32, #tpu.memory_space<hbm>>
      %dma_wait3A_894 = arith.constant 0 : i32
      %dma_wait3A_895 = arith.constant 0 : i32
      %dma_wait3A_896 = tpu.memref_slice %arg8[%run_scoped3A_800, %dma_wait3A_894, %dma_wait3A_895] : memref<4x128x128xf32, #tpu.memory_space<vmem>> -> memref<1x128x128xf32, #tpu.memory_space<vmem>>
      %dma_wait3A_897 = tpu.memref_squeeze %dma_wait3A_896 : memref<1x128x128xf32, #tpu.memory_space<vmem>> -> memref<128x128xf32, #tpu.memory_space<vmem>>
      tpu.wait_dma2 semaphore(%run_scoped3A_873 : memref<!tpu.dma_semaphore, #tpu.memory_space<semaphore_mem>>) src(%dma_wait3A_897 : memref<128x128xf32, #tpu.memory_space<vmem>>) dst(%dma_wait3A_893 : memref<128x128xf32, #tpu.memory_space<hbm>>)
      tpu.yield
    }) : () -> ()
    %add3A_801 = arith.constant 640 : i32
    %add3A_802 = arith.addi %mul3A_2, %add3A_801 : i32
    %run_scoped3A_803 = arith.constant 1 : i32
    "tpu.region"() ({
      %run_scoped3A_873 = tpu.sem_alloc : memref<!tpu.dma_semaphore, #tpu.memory_space<semaphore_mem>>
      %dma_start3A_874 = arith.constant 0 : i32
      %dma_start3A_875 = arith.constant 0 : i32
      %dma_start3A_876 = tpu.memref_slice %arg8[%run_scoped3A_803, %dma_start3A_874, %dma_start3A_875] : memref<4x128x128xf32, #tpu.memory_space<vmem>> -> memref<1x128x128xf32, #tpu.memory_space<vmem>>
      %dma_start3A_877 = tpu.memref_squeeze %dma_start3A_876 : memref<1x128x128xf32, #tpu.memory_space<vmem>> -> memref<128x128xf32, #tpu.memory_space<vmem>>
      %dma_start3A_878 = arith.constant 0 : i32
      %dma_start3A_879 = tpu.memref_slice %arg5[%add3A_802, %dma_start3A_878] : memref<32768x128xf32, #tpu.memory_space<hbm>> -> memref<128x128xf32, #tpu.memory_space<hbm>>
      %dma_start3A_880 = arith.constant 0 : i32
      %dma_start3A_881 = tpu.memref_slice %arg5[%add3A_802, %dma_start3A_880] : memref<32768x128xf32, #tpu.memory_space<hbm>> -> memref<128x128xf32, #tpu.memory_space<hbm>>
      %dma_start3A_882 = arith.constant 0 : i32
      %dma_start3A_883 = arith.constant 0 : i32
      %dma_start3A_884 = tpu.memref_slice %arg8[%run_scoped3A_803, %dma_start3A_882, %dma_start3A_883] : memref<4x128x128xf32, #tpu.memory_space<vmem>> -> memref<1x128x128xf32, #tpu.memory_space<vmem>>
      %dma_start3A_885 = tpu.memref_squeeze %dma_start3A_884 : memref<1x128x128xf32, #tpu.memory_space<vmem>> -> memref<128x128xf32, #tpu.memory_space<vmem>>
      tpu.enqueue_dma source(%dma_start3A_885 : memref<128x128xf32, #tpu.memory_space<vmem>>) target(%dma_start3A_881 : memref<128x128xf32, #tpu.memory_space<hbm>>) target_semaphore(%run_scoped3A_873 : memref<!tpu.dma_semaphore, #tpu.memory_space<semaphore_mem>>)
      %dma_wait3A_886 = arith.constant 0 : i32
      %dma_wait3A_887 = arith.constant 0 : i32
      %dma_wait3A_888 = tpu.memref_slice %arg8[%run_scoped3A_803, %dma_wait3A_886, %dma_wait3A_887] : memref<4x128x128xf32, #tpu.memory_space<vmem>> -> memref<1x128x128xf32, #tpu.memory_space<vmem>>
      %dma_wait3A_889 = tpu.memref_squeeze %dma_wait3A_888 : memref<1x128x128xf32, #tpu.memory_space<vmem>> -> memref<128x128xf32, #tpu.memory_space<vmem>>
      %dma_wait3A_890 = arith.constant 0 : i32
      %dma_wait3A_891 = tpu.memref_slice %arg5[%add3A_802, %dma_wait3A_890] : memref<32768x128xf32, #tpu.memory_space<hbm>> -> memref<128x128xf32, #tpu.memory_space<hbm>>
      %dma_wait3A_892 = arith.constant 0 : i32
      %dma_wait3A_893 = tpu.memref_slice %arg5[%add3A_802, %dma_wait3A_892] : memref<32768x128xf32, #tpu.memory_space<hbm>> -> memref<128x128xf32, #tpu.memory_space<hbm>>
      %dma_wait3A_894 = arith.constant 0 : i32
      %dma_wait3A_895 = arith.constant 0 : i32
      %dma_wait3A_896 = tpu.memref_slice %arg8[%run_scoped3A_803, %dma_wait3A_894, %dma_wait3A_895] : memref<4x128x128xf32, #tpu.memory_space<vmem>> -> memref<1x128x128xf32, #tpu.memory_space<vmem>>
      %dma_wait3A_897 = tpu.memref_squeeze %dma_wait3A_896 : memref<1x128x128xf32, #tpu.memory_space<vmem>> -> memref<128x128xf32, #tpu.memory_space<vmem>>
      tpu.wait_dma2 semaphore(%run_scoped3A_873 : memref<!tpu.dma_semaphore, #tpu.memory_space<semaphore_mem>>) src(%dma_wait3A_897 : memref<128x128xf32, #tpu.memory_space<vmem>>) dst(%dma_wait3A_893 : memref<128x128xf32, #tpu.memory_space<hbm>>)
      tpu.yield
    }) : () -> ()
    %add3A_804 = arith.constant 768 : i32
    %add3A_805 = arith.addi %mul3A_2, %add3A_804 : i32
    %run_scoped3A_806 = arith.constant 2 : i32
    "tpu.region"() ({
      %run_scoped3A_873 = tpu.sem_alloc : memref<!tpu.dma_semaphore, #tpu.memory_space<semaphore_mem>>
      %dma_start3A_874 = arith.constant 0 : i32
      %dma_start3A_875 = arith.constant 0 : i32
      %dma_start3A_876 = tpu.memref_slice %arg8[%run_scoped3A_806, %dma_start3A_874, %dma_start3A_875] : memref<4x128x128xf32, #tpu.memory_space<vmem>> -> memref<1x128x128xf32, #tpu.memory_space<vmem>>
      %dma_start3A_877 = tpu.memref_squeeze %dma_start3A_876 : memref<1x128x128xf32, #tpu.memory_space<vmem>> -> memref<128x128xf32, #tpu.memory_space<vmem>>
      %dma_start3A_878 = arith.constant 0 : i32
      %dma_start3A_879 = tpu.memref_slice %arg5[%add3A_805, %dma_start3A_878] : memref<32768x128xf32, #tpu.memory_space<hbm>> -> memref<128x128xf32, #tpu.memory_space<hbm>>
      %dma_start3A_880 = arith.constant 0 : i32
      %dma_start3A_881 = tpu.memref_slice %arg5[%add3A_805, %dma_start3A_880] : memref<32768x128xf32, #tpu.memory_space<hbm>> -> memref<128x128xf32, #tpu.memory_space<hbm>>
      %dma_start3A_882 = arith.constant 0 : i32
      %dma_start3A_883 = arith.constant 0 : i32
      %dma_start3A_884 = tpu.memref_slice %arg8[%run_scoped3A_806, %dma_start3A_882, %dma_start3A_883] : memref<4x128x128xf32, #tpu.memory_space<vmem>> -> memref<1x128x128xf32, #tpu.memory_space<vmem>>
      %dma_start3A_885 = tpu.memref_squeeze %dma_start3A_884 : memref<1x128x128xf32, #tpu.memory_space<vmem>> -> memref<128x128xf32, #tpu.memory_space<vmem>>
      tpu.enqueue_dma source(%dma_start3A_885 : memref<128x128xf32, #tpu.memory_space<vmem>>) target(%dma_start3A_881 : memref<128x128xf32, #tpu.memory_space<hbm>>) target_semaphore(%run_scoped3A_873 : memref<!tpu.dma_semaphore, #tpu.memory_space<semaphore_mem>>)
      %dma_wait3A_886 = arith.constant 0 : i32
      %dma_wait3A_887 = arith.constant 0 : i32
      %dma_wait3A_888 = tpu.memref_slice %arg8[%run_scoped3A_806, %dma_wait3A_886, %dma_wait3A_887] : memref<4x128x128xf32, #tpu.memory_space<vmem>> -> memref<1x128x128xf32, #tpu.memory_space<vmem>>
      %dma_wait3A_889 = tpu.memref_squeeze %dma_wait3A_888 : memref<1x128x128xf32, #tpu.memory_space<vmem>> -> memref<128x128xf32, #tpu.memory_space<vmem>>
      %dma_wait3A_890 = arith.constant 0 : i32
      %dma_wait3A_891 = tpu.memref_slice %arg5[%add3A_805, %dma_wait3A_890] : memref<32768x128xf32, #tpu.memory_space<hbm>> -> memref<128x128xf32, #tpu.memory_space<hbm>>
      %dma_wait3A_892 = arith.constant 0 : i32
      %dma_wait3A_893 = tpu.memref_slice %arg5[%add3A_805, %dma_wait3A_892] : memref<32768x128xf32, #tpu.memory_space<hbm>> -> memref<128x128xf32, #tpu.memory_space<hbm>>
      %dma_wait3A_894 = arith.constant 0 : i32
      %dma_wait3A_895 = arith.constant 0 : i32
      %dma_wait3A_896 = tpu.memref_slice %arg8[%run_scoped3A_806, %dma_wait3A_894, %dma_wait3A_895] : memref<4x128x128xf32, #tpu.memory_space<vmem>> -> memref<1x128x128xf32, #tpu.memory_space<vmem>>
      %dma_wait3A_897 = tpu.memref_squeeze %dma_wait3A_896 : memref<1x128x128xf32, #tpu.memory_space<vmem>> -> memref<128x128xf32, #tpu.memory_space<vmem>>
      tpu.wait_dma2 semaphore(%run_scoped3A_873 : memref<!tpu.dma_semaphore, #tpu.memory_space<semaphore_mem>>) src(%dma_wait3A_897 : memref<128x128xf32, #tpu.memory_space<vmem>>) dst(%dma_wait3A_893 : memref<128x128xf32, #tpu.memory_space<hbm>>)
      tpu.yield
    }) : () -> ()
    %add3A_807 = arith.constant 896 : i32
    %add3A_808 = arith.addi %mul3A_2, %add3A_807 : i32
    %run_scoped3A_809 = arith.constant 3 : i32
    "tpu.region"() ({
      %run_scoped3A_873 = tpu.sem_alloc : memref<!tpu.dma_semaphore, #tpu.memory_space<semaphore_mem>>
      %dma_start3A_874 = arith.constant 0 : i32
      %dma_start3A_875 = arith.constant 0 : i32
      %dma_start3A_876 = tpu.memref_slice %arg8[%run_scoped3A_809, %dma_start3A_874, %dma_start3A_875] : memref<4x128x128xf32, #tpu.memory_space<vmem>> -> memref<1x128x128xf32, #tpu.memory_space<vmem>>
      %dma_start3A_877 = tpu.memref_squeeze %dma_start3A_876 : memref<1x128x128xf32, #tpu.memory_space<vmem>> -> memref<128x128xf32, #tpu.memory_space<vmem>>
      %dma_start3A_878 = arith.constant 0 : i32
      %dma_start3A_879 = tpu.memref_slice %arg5[%add3A_808, %dma_start3A_878] : memref<32768x128xf32, #tpu.memory_space<hbm>> -> memref<128x128xf32, #tpu.memory_space<hbm>>
      %dma_start3A_880 = arith.constant 0 : i32
      %dma_start3A_881 = tpu.memref_slice %arg5[%add3A_808, %dma_start3A_880] : memref<32768x128xf32, #tpu.memory_space<hbm>> -> memref<128x128xf32, #tpu.memory_space<hbm>>
      %dma_start3A_882 = arith.constant 0 : i32
      %dma_start3A_883 = arith.constant 0 : i32
      %dma_start3A_884 = tpu.memref_slice %arg8[%run_scoped3A_809, %dma_start3A_882, %dma_start3A_883] : memref<4x128x128xf32, #tpu.memory_space<vmem>> -> memref<1x128x128xf32, #tpu.memory_space<vmem>>
      %dma_start3A_885 = tpu.memref_squeeze %dma_start3A_884 : memref<1x128x128xf32, #tpu.memory_space<vmem>> -> memref<128x128xf32, #tpu.memory_space<vmem>>
      tpu.enqueue_dma source(%dma_start3A_885 : memref<128x128xf32, #tpu.memory_space<vmem>>) target(%dma_start3A_881 : memref<128x128xf32, #tpu.memory_space<hbm>>) target_semaphore(%run_scoped3A_873 : memref<!tpu.dma_semaphore, #tpu.memory_space<semaphore_mem>>)
      %dma_wait3A_886 = arith.constant 0 : i32
      %dma_wait3A_887 = arith.constant 0 : i32
      %dma_wait3A_888 = tpu.memref_slice %arg8[%run_scoped3A_809, %dma_wait3A_886, %dma_wait3A_887] : memref<4x128x128xf32, #tpu.memory_space<vmem>> -> memref<1x128x128xf32, #tpu.memory_space<vmem>>
      %dma_wait3A_889 = tpu.memref_squeeze %dma_wait3A_888 : memref<1x128x128xf32, #tpu.memory_space<vmem>> -> memref<128x128xf32, #tpu.memory_space<vmem>>
      %dma_wait3A_890 = arith.constant 0 : i32
      %dma_wait3A_891 = tpu.memref_slice %arg5[%add3A_808, %dma_wait3A_890] : memref<32768x128xf32, #tpu.memory_space<hbm>> -> memref<128x128xf32, #tpu.memory_space<hbm>>
      %dma_wait3A_892 = arith.constant 0 : i32
      %dma_wait3A_893 = tpu.memref_slice %arg5[%add3A_808, %dma_wait3A_892] : memref<32768x128xf32, #tpu.memory_space<hbm>> -> memref<128x128xf32, #tpu.memory_space<hbm>>
      %dma_wait3A_894 = arith.constant 0 : i32
      %dma_wait3A_895 = arith.constant 0 : i32
      %dma_wait3A_896 = tpu.memref_slice %arg8[%run_scoped3A_809, %dma_wait3A_894, %dma_wait3A_895] : memref<4x128x128xf32, #tpu.memory_space<vmem>> -> memref<1x128x128xf32, #tpu.memory_space<vmem>>
      %dma_wait3A_897 = tpu.memref_squeeze %dma_wait3A_896 : memref<1x128x128xf32, #tpu.memory_space<vmem>> -> memref<128x128xf32, #tpu.memory_space<vmem>>
      tpu.wait_dma2 semaphore(%run_scoped3A_873 : memref<!tpu.dma_semaphore, #tpu.memory_space<semaphore_mem>>) src(%dma_wait3A_897 : memref<128x128xf32, #tpu.memory_space<vmem>>) dst(%dma_wait3A_893 : memref<128x128xf32, #tpu.memory_space<hbm>>)
      tpu.yield
    }) : () -> ()
    %jit3A_810 = arith.constant 4 : i32
    %div3A = arith.divsi %add3A, %jit3A_810 : i32
    %sign3A = arith.constant 0 : i32
    %sign3A_811 = arith.cmpi sgt, %add3A, %sign3A : i32
    %sign3A_812 = arith.extui %sign3A_811 : i1 to i32
    %sign3A_813 = arith.constant 0 : i32
    %sign3A_814 = arith.cmpi slt, %add3A, %sign3A_813 : i32
    %sign3A_815 = arith.extui %sign3A_814 : i1 to i32
    %sign3A_816 = arith.subi %sign3A_812, %sign3A_815 : i32
    %sign3A_817 = arith.constant 0 : i32
    %sign3A_818 = arith.cmpi sgt, %jit3A_810, %sign3A_817 : i32
    %sign3A_819 = arith.extui %sign3A_818 : i1 to i32
    %sign3A_820 = arith.constant 0 : i32
    %sign3A_821 = arith.cmpi slt, %jit3A_810, %sign3A_820 : i32
    %sign3A_822 = arith.extui %sign3A_821 : i1 to i32
    %sign3A_823 = arith.subi %sign3A_819, %sign3A_822 : i32
    %ne3A_824 = arith.cmpi ne, %sign3A_816, %sign3A_823 : i32
    %rem3A_825 = arith.remsi %add3A, %jit3A_810 : i32
    %ne3A_826 = arith.constant 0 : i32
    %ne3A_827 = arith.cmpi ne, %rem3A_825, %ne3A_826 : i32
    %and3A_828 = arith.andi %ne3A_824, %ne3A_827 : i1
    %sub3A = arith.constant 1 : i32
    %sub3A_829 = arith.subi %div3A, %sub3A : i32
    %select_n3A_830 = arith.select %and3A_828, %sub3A_829, %div3A : i32
    %jit3A_831 = arith.constant 4 : i32
    %eq3A_832 = arith.constant 0 : i32
    %eq3A_833 = arith.cmpi eq, %jit3A_831, %eq3A_832 : i32
    %jit3A_834 = arith.constant 1 : i32
    %select_n3A_835 = arith.select %eq3A_833, %jit3A_834, %jit3A_831 : i32
    %rem3A_836 = arith.remsi %add3A, %select_n3A_835 : i32
    %ne3A_837 = arith.constant 0 : i32
    %ne3A_838 = arith.cmpi ne, %rem3A_836, %ne3A_837 : i32
    %lt3A_839 = arith.constant 0 : i32
    %lt3A_840 = arith.cmpi slt, %rem3A_836, %lt3A_839 : i32
    %lt3A_841 = arith.constant 0 : i32
    %lt3A_842 = arith.cmpi slt, %select_n3A_835, %lt3A_841 : i32
    %ne3A_843 = arith.xori %lt3A_840, %lt3A_842 : i1
    %and3A_844 = arith.andi %ne3A_843, %ne3A_838 : i1
    %add3A_845 = arith.addi %rem3A_836, %select_n3A_835 : i32
    %select_n3A_846 = arith.select %and3A_844, %add3A_845, %rem3A_836 : i32
    %mul3A_847 = arith.constant 2048 : i32
    %mul3A_848 = arith.muli %select_n3A_846, %mul3A_847 : i32
    "tpu.region"() ({
      %run_scoped3A_873 = tpu.sem_alloc : memref<!tpu.dma_semaphore, #tpu.memory_space<semaphore_mem>>
      %dma_start3A_874 = arith.constant 0 : i32
      %dma_start3A_875 = tpu.memref_slice %arg4[%select_n3A_830, %dma_start3A_874] : memref<8x4096xi32, #tpu.memory_space<hbm>> -> memref<1x4096xi32, #tpu.memory_space<hbm>>
      %dma_start3A_876 = tpu.memref_squeeze %dma_start3A_875 : memref<1x4096xi32, #tpu.memory_space<hbm>> -> memref<4096xi32, #tpu.memory_space<hbm>>
      %dma_start3A_877 = arith.constant 0 : i32
      %dma_start3A_878 = tpu.memref_slice %arg4[%select_n3A_830, %dma_start3A_877] : memref<8x4096xi32, #tpu.memory_space<hbm>> -> memref<1x4096xi32, #tpu.memory_space<hbm>>
      %dma_start3A_879 = tpu.memref_squeeze %dma_start3A_878 : memref<1x4096xi32, #tpu.memory_space<hbm>> -> memref<4096xi32, #tpu.memory_space<hbm>>
      tpu.enqueue_dma source(%dma_start3A_879 : memref<4096xi32, #tpu.memory_space<hbm>>) target(%arg9 : memref<4096xi32, #tpu.memory_space<vmem>>) target_semaphore(%run_scoped3A_873 : memref<!tpu.dma_semaphore, #tpu.memory_space<semaphore_mem>>)
      %dma_wait3A_880 = arith.constant 0 : i32
      %dma_wait3A_881 = tpu.memref_slice %arg4[%select_n3A_830, %dma_wait3A_880] : memref<8x4096xi32, #tpu.memory_space<hbm>> -> memref<1x4096xi32, #tpu.memory_space<hbm>>
      %dma_wait3A_882 = tpu.memref_squeeze %dma_wait3A_881 : memref<1x4096xi32, #tpu.memory_space<hbm>> -> memref<4096xi32, #tpu.memory_space<hbm>>
      %dma_wait3A_883 = arith.constant 0 : i32
      %dma_wait3A_884 = tpu.memref_slice %arg4[%select_n3A_830, %dma_wait3A_883] : memref<8x4096xi32, #tpu.memory_space<hbm>> -> memref<1x4096xi32, #tpu.memory_space<hbm>>
      %dma_wait3A_885 = tpu.memref_squeeze %dma_wait3A_884 : memref<1x4096xi32, #tpu.memory_space<hbm>> -> memref<4096xi32, #tpu.memory_space<hbm>>
      tpu.wait_dma2 semaphore(%run_scoped3A_873 : memref<!tpu.dma_semaphore, #tpu.memory_space<semaphore_mem>>) src(%dma_wait3A_885 : memref<4096xi32, #tpu.memory_space<hbm>>) dst(%arg9 : memref<4096xi32, #tpu.memory_space<vmem>>)
      tpu.yield
    }) : () -> ()
    %broadcast_in_dim3A = arith.constant 0.000000e+00 : f32
    %broadcast_in_dim3A_849 = vector.broadcast %broadcast_in_dim3A : f32 to vector<16xf32>
    %scan3A = arith.constant 0 : i32
    %scan3A_850 = arith.constant 0 : i32
    %scan3A_851 = arith.constant 2048 : i32
    %scan3A_852 = arith.addi %scan3A_850, %scan3A_851 : i32
    %scan3A_853 = arith.constant 1 : i32
    scf.for %scan3A_873 = %scan3A_850 to %scan3A_852 step %scan3A_853  : i32 {
      %mul3A_874 = arith.constant 16 : i32
      %mul3A_875 = arith.muli %scan3A_873, %mul3A_874 : i32
      %swap3A_876 = arith.index_cast %mul3A_875 : i32 to index
      %swap3A_877 = tpu.vector_load %arg10[%swap3A_876] {strides = array<i32>} : memref<32768xf32, #tpu.memory_space<vmem>>, vector<16xf32>,
      tpu.vector_store %arg10[%swap3A_876], %broadcast_in_dim3A_849 {strides = array<i32>} : memref<32768xf32, #tpu.memory_space<vmem>>, vector<16xf32>,
    }
    %scan3A_854 = arith.constant 2048 : i32
    %iota3A_855 = tpu.iota {dimensions = array<i32: 0>} : vector<16xi32>
    %mul3A_856 = arith.constant 2048 : i32
    %mul3A_857 = vector.broadcast %mul3A_856 : i32 to vector<16xi32>
    %mul3A_858 = arith.muli %iota3A_855, %mul3A_857 : vector<16xi32>
    %broadcast_in_dim3A_859 = arith.constant 1.000000e+00 : f32
    %broadcast_in_dim3A_860 = vector.broadcast %broadcast_in_dim3A_859 : f32 to vector<16xf32>
    %scan3A_861 = arith.constant 0 : i32
    %scan3A_862 = arith.constant 0 : i32
    %scan3A_863 = arith.constant 256 : i32
    %scan3A_864 = arith.addi %scan3A_862, %scan3A_863 : i32
    %scan3A_865 = arith.constant 1 : i32
    scf.for %scan3A_873 = %scan3A_862 to %scan3A_864 step %scan3A_865  : i32 {
      %mul3A_874 = arith.constant 16 : i32
      %mul3A_875 = arith.muli %scan3A_873, %mul3A_874 : i32
      %get3A_876 = arith.index_cast %mul3A_875 : i32 to index
      %get3A_877 = tpu.vector_load %arg9[%get3A_876] {strides = array<i32>} : memref<4096xi32, #tpu.memory_space<vmem>>, vector<16xi32>,
      %sub3A_878 = vector.broadcast %mul3A_848 : i32 to vector<16xi32>
      %sub3A_879 = arith.subi %get3A_877, %sub3A_878 : vector<16xi32>
      %max3A = arith.constant 0 : i32
      %max3A_880 = vector.broadcast %max3A : i32 to vector<16xi32>
      %max3A_881 = arith.maxsi %sub3A_879, %max3A_880 : vector<16xi32>
      %min3A = arith.constant 2047 : i32
      %min3A_882 = vector.broadcast %min3A : i32 to vector<16xi32>
      %min3A_883 = arith.minsi %max3A_881, %min3A_882 : vector<16xi32>
      %ge3A = vector.broadcast %mul3A_848 : i32 to vector<16xi32>
      %ge3A_884 = arith.cmpi sge, %get3A_877, %ge3A : vector<16xi32>
      %add3A_885 = arith.constant 2048 : i32
      %add3A_886 = arith.addi %mul3A_848, %add3A_885 : i32
      %lt3A_887 = vector.broadcast %add3A_886 : i32 to vector<16xi32>
      %lt3A_888 = arith.cmpi slt, %get3A_877, %lt3A_887 : vector<16xi32>
      %and3A_889 = arith.andi %ge3A_884, %lt3A_888 : vector<16xi1>
      %add3A_890 = arith.addi %mul3A_858, %min3A_883 : vector<16xi32>
      tpu.vector_store_idx %arg10[%add3A_890], %broadcast_in_dim3A_860 masked %and3A_889 {add = true} : memref<32768xf32, #tpu.memory_space<vmem>>[vector<16xi32>], vector<16xf32>, vector<16xi1>
    }
    %scan3A_866 = arith.constant 256 : i32
    %scan3A_867 = arith.constant 0 : i32
    %scan3A_868 = arith.constant 0 : i32
    %scan3A_869 = arith.constant 128 : i32
    %scan3A_870 = arith.addi %scan3A_868, %scan3A_869 : i32
    %scan3A_871 = arith.constant 1 : i32
    scf.for %scan3A_873 = %scan3A_868 to %scan3A_870 step %scan3A_871  : i32 {
      %mul3A_874 = arith.constant 16 : i32
      %mul3A_875 = arith.muli %scan3A_873, %mul3A_874 : i32
      %get3A_876 = arith.index_cast %mul3A_875 : i32 to index
      %get3A_877 = tpu.vector_load %arg10[%get3A_876] {strides = array<i32>} : memref<32768xf32, #tpu.memory_space<vmem>>, vector<16xf32>,
      %mul3A_878 = arith.constant 16 : i32
      %mul3A_879 = arith.muli %scan3A_873, %mul3A_878 : i32
      %add3A_880 = arith.constant 2048 : i32
      %add3A_881 = arith.addi %add3A_880, %mul3A_879 : i32
      %get3A_882 = arith.index_cast %add3A_881 : i32 to index
      %get3A_883 = tpu.vector_load %arg10[%get3A_882] {strides = array<i32>} : memref<32768xf32, #tpu.memory_space<vmem>>, vector<16xf32>,
      %add3A_884 = arith.addf %get3A_877, %get3A_883 : vector<16xf32>
      %mul3A_885 = arith.constant 16 : i32
      %mul3A_886 = arith.muli %scan3A_873, %mul3A_885 : i32
      %add3A_887 = arith.constant 4096 : i32
      %add3A_888 = arith.addi %add3A_887, %mul3A_886 : i32
      %get3A_889 = arith.index_cast %add3A_888 : i32 to index
      %get3A_890 = tpu.vector_load %arg10[%get3A_889] {strides = array<i32>} : memref<32768xf32, #tpu.memory_space<vmem>>, vector<16xf32>,
      %add3A_891 = arith.addf %add3A_884, %get3A_890 : vector<16xf32>
      %mul3A_892 = arith.constant 16 : i32
      %mul3A_893 = arith.muli %scan3A_873, %mul3A_892 : i32
      %add3A_894 = arith.constant 6144 : i32
      %add3A_895 = arith.addi %add3A_894, %mul3A_893 : i32
      %get3A_896 = arith.index_cast %add3A_895 : i32 to index
      %get3A_897 = tpu.vector_load %arg10[%get3A_896] {strides = array<i32>} : memref<32768xf32, #tpu.memory_space<vmem>>, vector<16xf32>,
      %add3A_898 = arith.addf %add3A_891, %get3A_897 : vector<16xf32>
      %mul3A_899 = arith.constant 16 : i32
      %mul3A_900 = arith.muli %scan3A_873, %mul3A_899 : i32
      %add3A_901 = arith.constant 8192 : i32
      %add3A_902 = arith.addi %add3A_901, %mul3A_900 : i32
      %get3A_903 = arith.index_cast %add3A_902 : i32 to index
      %get3A_904 = tpu.vector_load %arg10[%get3A_903] {strides = array<i32>} : memref<32768xf32, #tpu.memory_space<vmem>>, vector<16xf32>,
      %add3A_905 = arith.addf %add3A_898, %get3A_904 : vector<16xf32>
      %mul3A_906 = arith.constant 16 : i32
      %mul3A_907 = arith.muli %scan3A_873, %mul3A_906 : i32
      %add3A_908 = arith.constant 10240 : i32
      %add3A_909 = arith.addi %add3A_908, %mul3A_907 : i32
      %get3A_910 = arith.index_cast %add3A_909 : i32 to index
      %get3A_911 = tpu.vector_load %arg10[%get3A_910] {strides = array<i32>} : memref<32768xf32, #tpu.memory_space<vmem>>, vector<16xf32>,
      %add3A_912 = arith.addf %add3A_905, %get3A_911 : vector<16xf32>
      %mul3A_913 = arith.constant 16 : i32
      %mul3A_914 = arith.muli %scan3A_873, %mul3A_913 : i32
      %add3A_915 = arith.constant 12288 : i32
      %add3A_916 = arith.addi %add3A_915, %mul3A_914 : i32
      %get3A_917 = arith.index_cast %add3A_916 : i32 to index
      %get3A_918 = tpu.vector_load %arg10[%get3A_917] {strides = array<i32>} : memref<32768xf32, #tpu.memory_space<vmem>>, vector<16xf32>,
      %add3A_919 = arith.addf %add3A_912, %get3A_918 : vector<16xf32>
      %mul3A_920 = arith.constant 16 : i32
      %mul3A_921 = arith.muli %scan3A_873, %mul3A_920 : i32
      %add3A_922 = arith.constant 14336 : i32
      %add3A_923 = arith.addi %add3A_922, %mul3A_921 : i32
      %get3A_924 = arith.index_cast %add3A_923 : i32 to index
      %get3A_925 = tpu.vector_load %arg10[%get3A_924] {strides = array<i32>} : memref<32768xf32, #tpu.memory_space<vmem>>, vector<16xf32>,
      %add3A_926 = arith.addf %add3A_919, %get3A_925 : vector<16xf32>
      %mul3A_927 = arith.constant 16 : i32
      %mul3A_928 = arith.muli %scan3A_873, %mul3A_927 : i32
      %add3A_929 = arith.constant 16384 : i32
      %add3A_930 = arith.addi %add3A_929, %mul3A_928 : i32
      %get3A_931 = arith.index_cast %add3A_930 : i32 to index
      %get3A_932 = tpu.vector_load %arg10[%get3A_931] {strides = array<i32>} : memref<32768xf32, #tpu.memory_space<vmem>>, vector<16xf32>,
      %add3A_933 = arith.addf %add3A_926, %get3A_932 : vector<16xf32>
      %mul3A_934 = arith.constant 16 : i32
      %mul3A_935 = arith.muli %scan3A_873, %mul3A_934 : i32
      %add3A_936 = arith.constant 18432 : i32
      %add3A_937 = arith.addi %add3A_936, %mul3A_935 : i32
      %get3A_938 = arith.index_cast %add3A_937 : i32 to index
      %get3A_939 = tpu.vector_load %arg10[%get3A_938] {strides = array<i32>} : memref<32768xf32, #tpu.memory_space<vmem>>, vector<16xf32>,
      %add3A_940 = arith.addf %add3A_933, %get3A_939 : vector<16xf32>
      %mul3A_941 = arith.constant 16 : i32
      %mul3A_942 = arith.muli %scan3A_873, %mul3A_941 : i32
      %add3A_943 = arith.constant 20480 : i32
      %add3A_944 = arith.addi %add3A_943, %mul3A_942 : i32
      %get3A_945 = arith.index_cast %add3A_944 : i32 to index
      %get3A_946 = tpu.vector_load %arg10[%get3A_945] {strides = array<i32>} : memref<32768xf32, #tpu.memory_space<vmem>>, vector<16xf32>,
      %add3A_947 = arith.addf %add3A_940, %get3A_946 : vector<16xf32>
      %mul3A_948 = arith.constant 16 : i32
      %mul3A_949 = arith.muli %scan3A_873, %mul3A_948 : i32
      %add3A_950 = arith.constant 22528 : i32
      %add3A_951 = arith.addi %add3A_950, %mul3A_949 : i32
      %get3A_952 = arith.index_cast %add3A_951 : i32 to index
      %get3A_953 = tpu.vector_load %arg10[%get3A_952] {strides = array<i32>} : memref<32768xf32, #tpu.memory_space<vmem>>, vector<16xf32>,
      %add3A_954 = arith.addf %add3A_947, %get3A_953 : vector<16xf32>
      %mul3A_955 = arith.constant 16 : i32
      %mul3A_956 = arith.muli %scan3A_873, %mul3A_955 : i32
      %add3A_957 = arith.constant 24576 : i32
      %add3A_958 = arith.addi %add3A_957, %mul3A_956 : i32
      %get3A_959 = arith.index_cast %add3A_958 : i32 to index
      %get3A_960 = tpu.vector_load %arg10[%get3A_959] {strides = array<i32>} : memref<32768xf32, #tpu.memory_space<vmem>>, vector<16xf32>,
      %add3A_961 = arith.addf %add3A_954, %get3A_960 : vector<16xf32>
      %mul3A_962 = arith.constant 16 : i32
      %mul3A_963 = arith.muli %scan3A_873, %mul3A_962 : i32
      %add3A_964 = arith.constant 26624 : i32
      %add3A_965 = arith.addi %add3A_964, %mul3A_963 : i32
      %get3A_966 = arith.index_cast %add3A_965 : i32 to index
      %get3A_967 = tpu.vector_load %arg10[%get3A_966] {strides = array<i32>} : memref<32768xf32, #tpu.memory_space<vmem>>, vector<16xf32>,
      %add3A_968 = arith.addf %add3A_961, %get3A_967 : vector<16xf32>
      %mul3A_969 = arith.constant 16 : i32
      %mul3A_970 = arith.muli %scan3A_873, %mul3A_969 : i32
      %add3A_971 = arith.constant 28672 : i32
      %add3A_972 = arith.addi %add3A_971, %mul3A_970 : i32
      %get3A_973 = arith.index_cast %add3A_972 : i32 to index
      %get3A_974 = tpu.vector_load %arg10[%get3A_973] {strides = array<i32>} : memref<32768xf32, #tpu.memory_space<vmem>>, vector<16xf32>,
      %add3A_975 = arith.addf %add3A_968, %get3A_974 : vector<16xf32>
      %mul3A_976 = arith.constant 16 : i32
      %mul3A_977 = arith.muli %scan3A_873, %mul3A_976 : i32
      %add3A_978 = arith.constant 30720 : i32
      %add3A_979 = arith.addi %add3A_978, %mul3A_977 : i32
      %get3A_980 = arith.index_cast %add3A_979 : i32 to index
      %get3A_981 = tpu.vector_load %arg10[%get3A_980] {strides = array<i32>} : memref<32768xf32, #tpu.memory_space<vmem>>, vector<16xf32>,
      %add3A_982 = arith.addf %add3A_975, %get3A_981 : vector<16xf32>
      %mul3A_983 = arith.constant 16 : i32
      %mul3A_984 = arith.muli %scan3A_873, %mul3A_983 : i32
      %swap3A_985 = arith.index_cast %mul3A_984 : i32 to index
      %swap3A_986 = tpu.vector_load %arg11[%swap3A_985] {strides = array<i32>} : memref<2048xf32, #tpu.memory_space<vmem>>, vector<16xf32>,
      tpu.vector_store %arg11[%swap3A_985], %add3A_982 {strides = array<i32>} : memref<2048xf32, #tpu.memory_space<vmem>>, vector<16xf32>,
    }
    %scan3A_872 = arith.constant 128 : i32
    "tpu.region"() ({
      %run_scoped3A_873 = tpu.sem_alloc : memref<!tpu.dma_semaphore, #tpu.memory_space<semaphore_mem>>
      %dma_start3A_874 = arith.constant 0 : i32
      %dma_start3A_875 = tpu.memref_slice %arg6[%add3A, %dma_start3A_874] : memref<32x2048xf32, #tpu.memory_space<hbm>> -> memref<1x2048xf32, #tpu.memory_space<hbm>>
      %dma_start3A_876 = tpu.memref_squeeze %dma_start3A_875 : memref<1x2048xf32, #tpu.memory_space<hbm>> -> memref<2048xf32, #tpu.memory_space<hbm>>
      %dma_start3A_877 = arith.constant 0 : i32
      %dma_start3A_878 = tpu.memref_slice %arg6[%add3A, %dma_start3A_877] : memref<32x2048xf32, #tpu.memory_space<hbm>> -> memref<1x2048xf32, #tpu.memory_space<hbm>>
      %dma_start3A_879 = tpu.memref_squeeze %dma_start3A_878 : memref<1x2048xf32, #tpu.memory_space<hbm>> -> memref<2048xf32, #tpu.memory_space<hbm>>
      tpu.enqueue_dma source(%arg11 : memref<2048xf32, #tpu.memory_space<vmem>>) target(%dma_start3A_879 : memref<2048xf32, #tpu.memory_space<hbm>>) target_semaphore(%run_scoped3A_873 : memref<!tpu.dma_semaphore, #tpu.memory_space<semaphore_mem>>)
      %dma_wait3A_880 = arith.constant 0 : i32
      %dma_wait3A_881 = tpu.memref_slice %arg6[%add3A, %dma_wait3A_880] : memref<32x2048xf32, #tpu.memory_space<hbm>> -> memref<1x2048xf32, #tpu.memory_space<hbm>>
      %dma_wait3A_882 = tpu.memref_squeeze %dma_wait3A_881 : memref<1x2048xf32, #tpu.memory_space<hbm>> -> memref<2048xf32, #tpu.memory_space<hbm>>
      %dma_wait3A_883 = arith.constant 0 : i32
      %dma_wait3A_884 = tpu.memref_slice %arg6[%add3A, %dma_wait3A_883] : memref<32x2048xf32, #tpu.memory_space<hbm>> -> memref<1x2048xf32, #tpu.memory_space<hbm>>
      %dma_wait3A_885 = tpu.memref_squeeze %dma_wait3A_884 : memref<1x2048xf32, #tpu.memory_space<hbm>> -> memref<2048xf32, #tpu.memory_space<hbm>>
      tpu.wait_dma2 semaphore(%run_scoped3A_873 : memref<!tpu.dma_semaphore, #tpu.memory_space<semaphore_mem>>) src(%arg11 : memref<2048xf32, #tpu.memory_space<vmem>>) dst(%dma_wait3A_885 : memref<2048xf32, #tpu.memory_space<hbm>>)
      tpu.yield
    }) : () -> ()
    return
  }
}

module attributes {stable_mosaic.version = 14 : i64} {
  func.func @_codes_body(%arg0: i32, %arg1: i32, %arg2: memref<512x512xf32, #tpu.memory_space<vmem>>, %arg3: memref<1x512x64xf32, #tpu.memory_space<vmem>>, %arg4: memref<1x1x64xf32, #tpu.memory_space<vmem>>, %arg5: memref<1x64x8192xf32, #tpu.memory_space<vmem>>, %arg6: memref<1x512x1xi32, #tpu.memory_space<vmem>>) attributes {dimension_semantics = [#tpu.dimension_semantics<arbitrary>, #tpu.dimension_semantics<arbitrary>], iteration_bounds = array<i64: 8, 8>, scalar_prefetch = 0 : i64, scratch_operands = 0 : i64, tpu.core_type = #tpu.core_type<tc>, window_params = [{transform_indices = @transform_0, window_bounds = array<i64: 512, 512>}, {transform_indices = @transform_1, window_bounds = array<i64: 1, 512, 64>}, {transform_indices = @transform_2, window_bounds = array<i64: 1, 1, 64>}, {transform_indices = @transform_3, window_bounds = array<i64: 1, 64, 8192>}, {transform_indices = @transform_4, window_bounds = array<i64: 1, 512, 1>}]} {
    %get3A = arith.constant 0 : index
    %get3A_0 = arith.constant 0 : index
    %get3A_1 = vector.load %arg2[%get3A, %get3A_0] : memref<512x512xf32, #tpu.memory_space<vmem>>, vector<512x512xf32>
    %get3A_2 = arith.constant 0 : index
    %get3A_3 = arith.constant 0 : index
    %get3A_4 = arith.constant 0 : index
    %get3A_5 = vector.load %arg3[%get3A_2, %get3A_3, %get3A_4] : memref<1x512x64xf32, #tpu.memory_space<vmem>>, vector<1x512x64xf32>
    %get3A_6 = vector.shape_cast %get3A_5 : vector<1x512x64xf32> to vector<512x64xf32>
    %dot_general3A = arith.constant dense<0.000000e+00> : vector<512x64xf32>
    %dot_general3A_7 = tpu.matmul %get3A_1, %get3A_6, %dot_general3A {dimension_numbers = #tpu.dot_dimension_numbers<[1], [0], [0], [1], [0, 0, 1, 1], [], []>, transpose_lhs_hint = false} : vector<512x512xf32>, vector<512x64xf32>, vector<512x64xf32> -> vector<512x64xf32>
    %get3A_8 = arith.constant 0 : index
    %get3A_9 = arith.constant 0 : index
    %get3A_10 = arith.constant 0 : index
    %get3A_11 = vector.load %arg4[%get3A_8, %get3A_9, %get3A_10] : memref<1x1x64xf32, #tpu.memory_space<vmem>>, vector<1x1x64xf32>
    %get3A_12 = vector.shape_cast %get3A_11 : vector<1x1x64xf32> to vector<1x64xf32>
    %add3A = vector.broadcast %get3A_12 : vector<1x64xf32> to vector<512x64xf32>
    %add3A_13 = arith.addf %dot_general3A_7, %add3A : vector<512x64xf32>
    %get3A_14 = arith.constant 0 : index
    %get3A_15 = arith.constant 0 : index
    %get3A_16 = arith.constant 0 : index
    %get3A_17 = vector.load %arg5[%get3A_14, %get3A_15, %get3A_16] : memref<1x64x8192xf32, #tpu.memory_space<vmem>>, vector<1x64x8192xf32>
    %get3A_18 = vector.shape_cast %get3A_17 : vector<1x64x8192xf32> to vector<64x8192xf32>
    %dot_general3A_19 = arith.constant dense<0.000000e+00> : vector<512x8192xf32>
    %dot_general3A_20 = tpu.matmul %add3A_13, %get3A_18, %dot_general3A_19 {dimension_numbers = #tpu.dot_dimension_numbers<[1], [0], [0], [1], [0, 0, 1, 1], [], []>, transpose_lhs_hint = false} : vector<512x64xf32>, vector<64x8192xf32>, vector<512x8192xf32> -> vector<512x8192xf32>
    %mul3A = arith.mulf %add3A_13, %add3A_13 : vector<512x64xf32>
    %reduce_sum3A = arith.constant dense<0.000000e+00> : vector<512xf32>
    %reduce_sum3A_21 = vector.multi_reduction <add>, %mul3A, %reduce_sum3A [1] : vector<512x64xf32> to vector<512xf32>
    %broadcast_in_dim3A = vector.shape_cast %reduce_sum3A_21 : vector<512xf32> to vector<512x1xf32>
    %mul3A_22 = arith.mulf %get3A_18, %get3A_18 : vector<64x8192xf32>
    %reduce_sum3A_23 = arith.constant dense<0.000000e+00> : vector<8192xf32>
    %reduce_sum3A_24 = vector.multi_reduction <add>, %mul3A_22, %reduce_sum3A_23 [0] : vector<64x8192xf32> to vector<8192xf32>
    %broadcast_in_dim3A_25 = vector.shape_cast %reduce_sum3A_24 : vector<8192xf32> to vector<1x8192xf32>
    %add3A_26 = vector.broadcast %broadcast_in_dim3A : vector<512x1xf32> to vector<512x8192xf32>
    %add3A_27 = vector.broadcast %broadcast_in_dim3A_25 : vector<1x8192xf32> to vector<512x8192xf32>
    %add3A_28 = arith.addf %add3A_26, %add3A_27 : vector<512x8192xf32>
    %mul3A_29 = arith.constant 2.000000e+00 : f32
    %mul3A_30 = vector.broadcast %mul3A_29 : f32 to vector<512x8192xf32>
    %mul3A_31 = arith.mulf %mul3A_30, %dot_general3A_20 : vector<512x8192xf32>
    %sub3A = arith.subf %add3A_28, %mul3A_31 : vector<512x8192xf32>
    %reduce_min3A = arith.constant dense<0x7F800000> : vector<512xf32>
    %reduce_min3A_32 = vector.multi_reduction <minimumf>, %sub3A, %reduce_min3A [1] : vector<512x8192xf32> to vector<512xf32>
    %broadcast_in_dim3A_33 = vector.shape_cast %reduce_min3A_32 : vector<512xf32> to vector<512x1xf32>
    %iota3A = tpu.iota {dimensions = array<i32: 1>} : vector<512x8192xi32>
    %eq3A = vector.broadcast %broadcast_in_dim3A_33 : vector<512x1xf32> to vector<512x8192xf32>
    %eq3A_34 = arith.cmpf oeq, %sub3A, %eq3A : vector<512x8192xf32>
    %jit3A = arith.constant 8192 : i32
    %broadcast_in_dim3A_35 = vector.broadcast %jit3A : i32 to vector<512x8192xi32>
    %select_n3A = arith.select %eq3A_34, %iota3A, %broadcast_in_dim3A_35 : vector<512x8192xi1>, vector<512x8192xi32>
    %reduce_min3A_36 = arith.constant dense<2147483647> : vector<512xi32>
    %reduce_min3A_37 = vector.multi_reduction <minsi>, %select_n3A, %reduce_min3A_36 [1] : vector<512x8192xi32> to vector<512xi32>
    %broadcast_in_dim3A_38 = vector.shape_cast %reduce_min3A_37 : vector<512xi32> to vector<512x1xi32>
    %reshape3A = vector.shape_cast %broadcast_in_dim3A_38 : vector<512x1xi32> to vector<1x512x1xi32>
    %swap3A = arith.constant 0 : index
    %swap3A_39 = arith.constant 0 : index
    %swap3A_40 = arith.constant 0 : index
    %swap3A_41 = vector.load %arg6[%swap3A, %swap3A_39, %swap3A_40] : memref<1x512x1xi32, #tpu.memory_space<vmem>>, vector<1x512x1xi32>
    tpu.vector_store %arg6[%swap3A, %swap3A_39, %swap3A_40], %reshape3A {strides = array<i32>} : memref<1x512x1xi32, #tpu.memory_space<vmem>>, vector<1x512x1xi32>,
    return
  }
  func.func @transform_0(%arg0: i32, %arg1: i32) -> (i32, i32) {
    %c0_i32 = arith.constant 0 : i32
    %c0_i32_0 = arith.constant 0 : i32
    return %arg0, %c0_i32 : i32, i32
  }
  func.func @transform_1(%arg0: i32, %arg1: i32) -> (i32, i32, i32) {
    %c0_i32 = arith.constant 0 : i32
    %c0_i32_0 = arith.constant 0 : i32
    %c0_i32_1 = arith.constant 0 : i32
    return %arg1, %c0_i32, %c0_i32_0 : i32, i32, i32
  }
  func.func @transform_2(%arg0: i32, %arg1: i32) -> (i32, i32, i32) {
    %c0_i32 = arith.constant 0 : i32
    %c0_i32_0 = arith.constant 0 : i32
    %c0_i32_1 = arith.constant 0 : i32
    return %arg1, %c0_i32, %c0_i32_0 : i32, i32, i32
  }
  func.func @transform_3(%arg0: i32, %arg1: i32) -> (i32, i32, i32) {
    %c0_i32 = arith.constant 0 : i32
    %c0_i32_0 = arith.constant 0 : i32
    %c0_i32_1 = arith.constant 0 : i32
    return %arg1, %c0_i32, %c0_i32_0 : i32, i32, i32
  }
  func.func @transform_4(%arg0: i32, %arg1: i32) -> (i32, i32, i32) {
    %c0_i32 = arith.constant 0 : i32
    %c0_i32_0 = arith.constant 0 : i32
    return %arg1, %arg0, %c0_i32 : i32, i32, i32
  }
}

module attributes {stable_mosaic.version = 14 : i64} {
  func.func @_dec_body(%arg0: i32, %arg1: memref<512x512xf32, #tpu.memory_space<vmem>>, %arg2: memref<512x512xf32, #tpu.memory_space<vmem>>, %arg3: memref<1x512xf32, #tpu.memory_space<vmem>>, %arg4: memref<8x8192xf32, #tpu.memory_space<vmem>>, %arg5: memref<512x512xf32, #tpu.memory_space<vmem>>, %arg6: memref<1x128xf32, #tpu.memory_space<vmem>>) attributes {dimension_semantics = [#tpu.dimension_semantics<arbitrary>], iteration_bounds = array<i64: 8>, scalar_prefetch = 0 : i64, scratch_operands = 0 : i64, tpu.core_type = #tpu.core_type<tc>, window_params = [{transform_indices = @transform_0, window_bounds = array<i64: 512, 512>}, {pipeline_mode = #tpu.pipeline_mode<synchronous>, transform_indices = @transform_1, window_bounds = array<i64: 512, 512>}, {pipeline_mode = #tpu.pipeline_mode<synchronous>, transform_indices = @transform_2, window_bounds = array<i64: 1, 512>}, {pipeline_mode = #tpu.pipeline_mode<synchronous>, transform_indices = @transform_3, window_bounds = array<i64: 8, 8192>}, {transform_indices = @transform_4, window_bounds = array<i64: 512, 512>}, {pipeline_mode = #tpu.pipeline_mode<synchronous>, transform_indices = @transform_5, window_bounds = array<i64: 1, 128>}]} {
    %get3A = arith.constant 0 : index
    %get3A_0 = arith.constant 0 : index
    %get3A_1 = vector.load %arg1[%get3A, %get3A_0] : memref<512x512xf32, #tpu.memory_space<vmem>>, vector<512x512xf32>
    %get3A_2 = arith.constant 0 : index
    %get3A_3 = arith.constant 0 : index
    %get3A_4 = vector.load %arg2[%get3A_2, %get3A_3] : memref<512x512xf32, #tpu.memory_space<vmem>>, vector<512x512xf32>
    %dot_general3A = arith.constant dense<0.000000e+00> : vector<512x512xf32>
    %dot_general3A_5 = tpu.matmul %get3A_1, %get3A_4, %dot_general3A {dimension_numbers = #tpu.dot_dimension_numbers<[1], [0], [0], [1], [0, 0, 1, 1], [], []>, transpose_lhs_hint = false} : vector<512x512xf32>, vector<512x512xf32>, vector<512x512xf32> -> vector<512x512xf32>
    %get3A_6 = arith.constant 0 : index
    %get3A_7 = arith.constant 0 : index
    %get3A_8 = vector.load %arg3[%get3A_6, %get3A_7] : memref<1x512xf32, #tpu.memory_space<vmem>>, vector<1x512xf32>
    %add3A = vector.broadcast %get3A_8 : vector<1x512xf32> to vector<512x512xf32>
    %add3A_9 = arith.addf %dot_general3A_5, %add3A : vector<512x512xf32>
    %swap3A = arith.constant 0 : index
    %swap3A_10 = arith.constant 0 : index
    %swap3A_11 = vector.load %arg5[%swap3A, %swap3A_10] : memref<512x512xf32, #tpu.memory_space<vmem>>, vector<512x512xf32>
    tpu.vector_store %arg5[%swap3A, %swap3A_10], %add3A_9 {strides = array<i32>} : memref<512x512xf32, #tpu.memory_space<vmem>>, vector<512x512xf32>,
    %eq3A = arith.constant 0 : i32
    %eq3A_12 = arith.cmpi eq, %arg0, %eq3A : i32
    %convert_element_type3A = arith.extui %eq3A_12 : i1 to i32
    %cond3A = arith.constant 0 : i32
    %cond3A_13 = arith.cmpi ne, %convert_element_type3A, %cond3A : i32
    scf.if %cond3A_13 {
      %get3A_14 = arith.constant 0 : index
      %get3A_15 = arith.constant 0 : index
      %get3A_16 = vector.load %arg4[%get3A_14, %get3A_15] : memref<8x8192xf32, #tpu.memory_space<vmem>>, vector<8x8192xf32>
      %div3A = arith.constant 4.096000e+03 : f32
      %div3A_17 = vector.broadcast %div3A : f32 to vector<8x8192xf32>
      %div3A_18 = arith.divf %get3A_16, %div3A_17 : vector<8x8192xf32>
      %add3A_19 = arith.constant 1.000000e-10 : f32
      %add3A_20 = vector.broadcast %add3A_19 : f32 to vector<8x8192xf32>
      %add3A_21 = arith.addf %div3A_18, %add3A_20 : vector<8x8192xf32>
      %log3A = math.log %add3A_21 : vector<8x8192xf32>
      %mul3A = arith.mulf %div3A_18, %log3A : vector<8x8192xf32>
      %reduce_sum3A = arith.constant dense<0.000000e+00> : vector<8xf32>
      %reduce_sum3A_22 = vector.multi_reduction <add>, %mul3A, %reduce_sum3A [1] : vector<8x8192xf32> to vector<8xf32>
      %broadcast_in_dim3A = vector.shape_cast %reduce_sum3A_22 : vector<8xf32> to vector<8x1xf32>
      %neg3A = arith.constant 0.000000e+00 : f32
      %neg3A_23 = vector.broadcast %neg3A : f32 to vector<8x1xf32>
      %neg3A_24 = arith.subf %neg3A_23, %broadcast_in_dim3A : vector<8x1xf32>
      %exp3A = math.exp %neg3A_24 : vector<8x1xf32>
      %reduce_sum3A_25 = vector.shape_cast %exp3A : vector<8x1xf32> to vector<1x8x1xf32>
      %reduce_sum3A_26 = arith.constant dense<0.000000e+00> : vector<1xf32>
      %reduce_sum3A_27 = vector.multi_reduction <add>, %reduce_sum3A_25, %reduce_sum3A_26 [1, 2] : vector<1x8x1xf32> to vector<1xf32>
      %reduce_sum3A_28 = vector.shape_cast %reduce_sum3A_27 : vector<1xf32> to vector<1x1x1xf32>
      %reduce_sum3A_29 = vector.extract %reduce_sum3A_28[0, 0, 0] : f32 from vector<1x1x1xf32>
      %div3A_30 = arith.constant 8.000000e+00 : f32
      %div3A_31 = arith.divf %reduce_sum3A_29, %div3A_30 : f32
      %broadcast_in_dim3A_32 = vector.broadcast %div3A_31 : f32 to vector<1x128xf32>
      %swap3A_33 = arith.constant 0 : index
      %swap3A_34 = arith.constant 0 : index
      %swap3A_35 = vector.load %arg6[%swap3A_33, %swap3A_34] : memref<1x128xf32, #tpu.memory_space<vmem>>, vector<1x128xf32>
      tpu.vector_store %arg6[%swap3A_33, %swap3A_34], %broadcast_in_dim3A_32 {strides = array<i32>} : memref<1x128xf32, #tpu.memory_space<vmem>>, vector<1x128xf32>,
    } else {
    }
    return
  }
  func.func @transform_0(%arg0: i32) -> (i32, i32) {
    %c0_i32 = arith.constant 0 : i32
    %c0_i32_0 = arith.constant 0 : i32
    return %arg0, %c0_i32 : i32, i32
  }
  func.func @transform_1(%arg0: i32) -> (i32, i32) {
    %c0_i32 = arith.constant 0 : i32
    %c0_i32_0 = arith.constant 0 : i32
    %c0_i32_1 = arith.constant 0 : i32
    return %c0_i32, %c0_i32_0 : i32, i32
  }
  func.func @transform_2(%arg0: i32) -> (i32, i32) {
    %c0_i32 = arith.constant 0 : i32
    %c0_i32_0 = arith.constant 0 : i32
    %c0_i32_1 = arith.constant 0 : i32
    return %c0_i32, %c0_i32_0 : i32, i32
  }
  func.func @transform_3(%arg0: i32) -> (i32, i32) {
    %c0_i32 = arith.constant 0 : i32
    %c0_i32_0 = arith.constant 0 : i32
    %c0_i32_1 = arith.constant 0 : i32
    return %c0_i32, %c0_i32_0 : i32, i32
  }
  func.func @transform_4(%arg0: i32) -> (i32, i32) {
    %c0_i32 = arith.constant 0 : i32
    %c0_i32_0 = arith.constant 0 : i32
    return %arg0, %c0_i32 : i32, i32
  }
  func.func @transform_5(%arg0: i32) -> (i32, i32) {
    %c0_i32 = arith.constant 0 : i32
    %c0_i32_0 = arith.constant 0 : i32
    %c0_i32_1 = arith.constant 0 : i32
    return %c0_i32, %c0_i32_0 : i32, i32
  }
}

</mosaic_0001>

<sc_bundles>
// kernel: kernel.5.cloned.1.call-start
scs
__scs_entry_jumppad:
0x0: {  	(pc) =	sbr.rel $0x88, $3  }
0x1: {  	(tag) =	ssettag $0x0;
	lr =	simm.s32 $0x1  }
0x2: {  	[smem:$0x3F9B] =	sst lr;
	_ =	strace $0xD0000000  }
0x3: {  	_ = 	snop  }
0x4: {  	_ = 	snop  }
0x5: {  	_ = 	snop  }
0x6: {  	_ = 	snop  }
0x7: {  	_ = 	snop  }
__scs_overlays_trampoline_lowered:
0x8: {  	[smem:$0x3FAA] =	sst s0  }
0x9: {  	[smem:$0x3FAB] =	sst s1  }
0xa: {  	[smem:$0x3FAC] =	sst s2  }
0xb: {  	[smem:$0x3FAD] =	sst s3  }
0xc: {  	[smem:$0x3FAE] =	sst s4  }
0xd: {  	[smem:$0x3FAF] =	sst s5  }
0xe: {  	[smem:$0x3FB0] =	sst s6  }
0xf: {  	[smem:$0x3FB1] =	sst s7  }
0x10: {  	[smem:$0x3FB2] =	sst s8  }
0x11: {  	[smem:$0x3FB3] =	sst s9;
	s0 =	simm.s32 @!p0 $0x0  }
0x12: {  	s1 =	sld [smem:$0x3F99];
	s0 =	simm.s32 @p0 $0x1  }
0x13: {  	[smem:$0x3FB4] =	sst s0;
	s0 =	simm.s32 @!p1 $0x0  }
0x14: {  	s2 =	sld [smem:$0x3F98];
	s0 =	simm.s32 @p1 $0x1  }
0x15: {  	[smem:$0x3FB5] =	sst s0;
	s0 =	simm.s32 @!p2 $0x0  }
0x16: {  	s3 =	sld [smem:$0x3FDB];
	s0 =	simm.s32 @p2 $0x1  }
0x17: {  	s4 =	simm.s32 $0x1BF5;
	[smem:$0x3FB7] =	sst s0  }
0x18: {  	s0 =	sld [smem:$0x3F9A];
	_ =	swait.ge [sflag:s4], $0x0  }
0x19: {  	s7 =	sld [smem:$0x3F9B]  }
0x1a: {  	s8 =	sadd.s32 $0xFFFFE003, lr  }
0x1b: {  	s9 =	sadd.s32 $0xFFFFFEF7, lr;
	s5 =	simm.s32 $0xFFFFFFFF;
	p2 =	slt.u32 s8, $0xFFFFF086  }
0x1c: {  	p1 =	slt.u32 s9, $0xF7A;
	s5 =	simm.s32 @!p2 $0x0  }
0x1d: {  	s5 =	simm.s32 @p1 $0x1;
	p0 =	seq.s32 s7, s2  }
0x1e: {  	s7 =	smul.u32 @!p0 $0xF7A, s2;
	p2 =	seq.s32 @!p0 s5, $0x0  }
0x1f: {  	s9 =	smul.u32 $0xF7A, s1;
	s8 =	simm.s32 @!p0 $0x1BF5;
	p2 =	por !p2, p0  }
0x20: {  	[sflag:s8] =	ssyncset.s32 @!p0 $0xFFFFF086;
	s6 =	sadd.s32 @!p0 s3, s7;
	s7 =	simm.s32 @!p0 $0x108  }
0x21: {  	s3 =	sadd.s32 s3, s9;
	s6 =	sadd.s32 @!p0 $0x88, s6;
	s7 =	simm.s32 @p2 $0x1082  }
0x22: {  	[simem:s7], [sflag:s8] =	dma.local @!p0 [hbm:s6], $0xF7A  }
0x23: {  	s9 =	sor.u32 $0xD0000000, s2;
	s6 =	simm.s32 $0x108;
	_ =	swait.ge @!p0 [sflag:s8], $0x0  }
0x24: {  	s3 =	sadd.s32 $0x88, s3;
	s6 =	simm.s32 @!p1 $0x1082;
	[sflag:s4] =	ssyncset.s32 $0xFFFFF086  }
0x25: {  	[simem:s6], [sflag:s4] =	dma.local [hbm:s3], $0xF7A  }
0x26: {  	[smem:$0x3F9B] =	sst s1;
	(tag) =	ssettag s2;
	_ =	strace s9  }
0x27: {  	s1 =	sld [smem:$0x3FAB]  }
0x28: {  	s2 =	sld [smem:$0x3FAC]  }
0x29: {  	s4 =	sld [smem:$0x3FAE]  }
0x2a: {  	p0 =	seq.s32 s5, $0x0;
	s5 =	sld [smem:$0x3FAF]  }
0x2b: {  	s6 =	sld [smem:$0x3FB0]  }
0x2c: {  	s7 =	sld [smem:$0x3FB1]  }
0x2d: {  	s3 =	simm.s32 $0x108;
	s8 =	sld [smem:$0x3FB2]  }
0x2e: {  	s3 =	simm.s32 @!p0 $0x1082;
	s9 =	sld [smem:$0x3FB3]  }
0x2f: {  	lr =	sadd.s32 s0, s3;
	s0 =	sld [smem:$0x3FAA]  }
0x30: {  	s3 =	sld [smem:$0x3FAD]  }
0x31: {  	[smem:$0x3FB6] =	sst s10  }
0x32: {  	s10 =	sld [smem:$0x3FB4];
	_ =	sdelay $0x3  }
0x33: {  	p0 =	seq.s32 s10, $0x1;
	s10 =	sld [smem:$0x3FB6];
	_ =	sdelay $0x3  }
0x34: {  	[smem:$0x3FB6] =	sst s10  }
0x35: {  	s10 =	sld [smem:$0x3FB5];
	_ =	sdelay $0x3  }
0x36: {  	p1 =	seq.s32 s10, $0x1;
	s10 =	sld [smem:$0x3FB6];
	_ =	sdelay $0x3  }
0x37: {  	[smem:$0x3FB6] =	sst s10  }
0x38: {  	s10 =	sld [smem:$0x3FB7]  }
0x39: {  	_ = 	snop;
	(pc) =	sbr.ind lr, $3  }
0x3a: {  	_ = 	snop  }
0x3b: {  	_ = 	snop  }
0x3c: {  	p2 =	seq.s32 s10, $0x1;
	s10 =	sld [smem:$0x3FB6]  }
0x3d: {  	_ =	shalt  }
0x3e: {  	_ =	shalt  }
0x3f: {  	_ =	shalt  }
0x40: {  	_ =	shalt  }
0x41: {  	_ =	shalt  }
0x42: {  	_ =	shalt  }
0x43: {  	_ =	shalt  }
0x44: {  	_ =	shalt  }
0x45: {  	_ =	shalt  }
0x46: {  	_ =	shalt  }
0x47: {  	_ =	shalt  }
0x48: {  	_ =	shalt  }
0x49: {  	_ =	shalt  }
0x4a: {  	_ =	shalt  }
0x4b: {  	_ =	shalt  }
0x4c: {  	_ =	shalt  }
0x4d: {  	_ =	shalt  }
0x4e: {  	_ =	shalt  }
0x4f: {  	_ =	shalt  }
0x50: {  	_ =	shalt  }
0x51: {  	_ =	shalt  }
0x52: {  	_ =	shalt  }
0x53: {  	_ =	shalt  }
0x54: {  	_ =	shalt  }
0x55: {  	_ =	shalt  }
0x56: {  	_ =	shalt  }
0x57: {  	_ =	shalt  }
0x58: {  	_ =	shalt  }
0x59: {  	_ =	shalt  }
0x5a: {  	_ =	shalt  }
0x5b: {  	_ =	shalt  }
0x5c: {  	_ =	shalt  }
0x5d: {  	_ =	shalt  }
0x5e: {  	_ =	shalt  }
0x5f: {  	_ =	shalt  }
0x60: {  	_ =	shalt  }
0x61: {  	_ =	shalt  }
0x62: {  	_ =	shalt  }
0x63: {  	_ =	shalt  }
0x64: {  	_ =	shalt  }
0x65: {  	_ =	shalt  }
0x66: {  	_ =	shalt  }
0x67: {  	_ =	shalt  }
0x68: {  	_ =	shalt  }
0x69: {  	_ =	shalt  }
0x6a: {  	_ =	shalt  }
0x6b: {  	_ =	shalt  }
0x6c: {  	_ =	shalt  }
0x6d: {  	_ =	shalt  }
0x6e: {  	_ =	shalt  }
0x6f: {  	_ =	shalt  }
0x70: {  	_ =	shalt  }
0x71: {  	_ =	shalt  }
0x72: {  	_ =	shalt  }
0x73: {  	_ =	shalt  }
0x74: {  	_ =	shalt  }
0x75: {  	_ =	shalt  }
0x76: {  	_ =	shalt  }
0x77: {  	_ =	shalt  }
0x78: {  	_ =	shalt  }
0x79: {  	_ =	shalt  }
0x7a: {  	_ =	shalt  }
0x7b: {  	_ =	shalt  }
0x7c: {  	_ =	shalt  }
0x7d: {  	_ =	shalt  }
0x7e: {  	_ =	shalt  }
0x7f: {  	_ =	shalt  }
0x80: {  	_ =	shalt  }
0x81: {  	_ =	shalt  }
0x82: {  	_ =	shalt  }
0x83: {  	_ =	shalt  }
0x84: {  	_ =	shalt  }
0x85: {  	_ =	shalt  }
0x86: {  	_ =	shalt  }
0x87: {  	_ =	shalt  }
.Lfunc_end0:
.L_simem_size_0:
called_computation_lowered:
.L_overlay_start_0:
0x88: {  	s2 =	sld [smem:$0x3FD9]  }
0x89: {  	s3 =	sld [smem:$0x3FFE];
	_ =	sdelay $0x1  }
0x8a: {  	s1 =	srdreg.scid  }
0x8b: {  	s0 =	sand.u32 $0x1, s1  }
0x8c: {  	s14 =	sshll.u32 s0, $0xA;
	s2 =	sadd.s32 s3, s2  }
0x8d: {  	s2 =	sadd.s32 s2, s14  }
0x8e: {  	[smem:$0x3FC2] =	sst s2  }
0x8f: {  	_ = 	snop  }
0x90: {  	s2 =	sld [smem:$0x3FD0];
	_ =	sdelay $0x2  }
0x91: {  	s15 =	simm.s32 $0xA;
	s4 =	simm.s32 $0x10  }
0x92: {  	[smem:s4], [sflag:s15] =	dma.local [hbm:s2], $0x1  }
0x93: {  	_ =	swait.eq [sflag:s15], $0x1  }
0x94: {  	s16 =	sld [smem:$0x10];
	[sflag:s15] =	ssyncset.done $0x0  }
0x95: {  	s17 =	sld [smem:$0x11];
	[sflag:s15] =	ssyncadd.s32 $0xFFFFFFFF  }
0x96: {  	s18 =	sld [smem:$0x12];
	(tm) =	ssettm $0x1  }
0x97: {  	s5 =	sld [smem:$0x3FFB];
	_ =	sdelay $0x3  }
0x98: {  	_ =	strace s5  }
0x99: {  	s5 =	sld [smem:$0x3FFC];
	_ =	sdelay $0x3  }
0x9a: {  	_ =	strace s5  }
0x9b: {  	s5 =	sld [smem:$0x3FFD];
	_ =	sdelay $0x3  }
0x9c: {  	_ =	strace s5  }
0x9d: {  	_ =	strace $0x8FFFFFFF  }
0x9e: {  	s19 =	sld [smem:$0x3FDB];
	_ =	sdelay $0x1  }
0x9f: {  	s6 =	simm.s32 $_scs_section_size  }
0xa0: {  	s7 =	simm.s32 $_size__tile_overlayer_lowered;
	s8 =	simm.s32 $_tile_overlayer_lowered  }
0xa1: {  	s22 =	simm.s32 $0x1BFF;
	s21 =	sshll.u32 s8, $0x1;
	s5 =	sadd.s32 s6, s19  }
0xa2: {  	s9 =	simm.s32 $0x0;
	s20 =	sshll.u32 s7, $0x1;
	s7 =	sadd.s32 s21, s5  }
0xa3: {  	[timem:s9], [sflag:s22] =	dma.local [hbm:s7], s20  }
0xa4: {  	_ =	swait.ge [sflag:s22], s20  }
0xa5: {  	s6 =	ssub.s32 $0x0, s20;
	[sflag:s22] =	ssyncset.done $0x0  }
0xa6: {  	[sflag:s22] =	ssyncadd.s32 s6;
	_ =	sdelay $0x1  }
0xa7: {  	s23 =	simm.s32 $0x1B8B  }
0xa8: {  	_ =	swait.ge [sflag:s23], $0x1  }
0xa9: {  	[sflag:s23] =	ssyncset.done $0x0  }
0xaa: {  	s25 =	simm.s32 $0x1B8E;
	s24 =	sld [smem:$0x3FFE];
	[sflag:s23] =	ssyncadd.s32 $0xFFFFFFFF  }
0xab: {  	s26 =	simm.s32 $execute0_lowered;
	[smem:$0x3FD2] =	sst s25  }
0xac: {  	s7 =	sshll.u32 s26, $0x1;
	_ =	strace $0x80000046;
	[dreg:$0x1] =	wrdreg $0xFFFFFFFF  }
0xad: {  	s28 =	simm.s32 $_size_execute0_lowered;
	s5 =	sadd.s32 s5, s7;
	[dreg:$0x0] =	wrdreg $0x0  }
0xae: {  	s7 =	sshll.u32 s28, $0x1;
	[dreg:$0x2] =	wrdreg s5  }
0xaf: {  	[dreg:$0x3] =	wrdreg s7  }
0xb0: {  	[dreg:$0x4] =	wrdreg $0xC0  }
0xb1: {  	_ =	task [dreg:s9], $0x5FFFF  }
0xb2: {  	[dreg:$0x1] =	wrdreg $0xFFFFFFFF  }
0xb3: {  	[dreg:$0x0] =	wrdreg $0x60  }
0xb4: {  	[dreg:$0x2] =	wrdreg s24  }
0xb5: {  	[dreg:$0x3] =	wrdreg s17  }
0xb6: {  	[dreg:$0x4] =	wrdreg s18  }
0xb7: {  	[dreg:$0x5] =	wrdreg s16  }
0xb8: {  	[dreg:$0x6] =	wrdreg $0x9  }
0xb9: {  	_ =	task.clear_ibuf [dreg:s9], $0x7FFFF;
	_ =	strace $0x90000046  }
0xba: {  	s29 =	simm.s32 $0x9;
	_ =	strace $0x80000048  }
0xbb: {  	_ =	swait.ge [sflag:s29], $0x1  }
0xbc: {  	[sflag:s29] =	ssyncadd.s32 $0xFFFFFFFF  }
0xbd: {  	_ =	strace $0x90000048  }
0xbe: {  	_ =	sfence  }
0xbf: {  	s30 =	sld [smem:$0x0];
	_ =	sdelay $0x2  }
0xc0: {  	s31 =	sshll.u32 s1, $0xD;
	s1 =	sshrl.u32 s1, $0x2  }
0xc1: {  	s3 =	sand.u32 $0x4000, s31;
	s1 =	sadd.s32 s1, s30  }
0xc2: {  	s0 =	sor.u32 s3, s0;
	s1 =	sshll.u32 s1, $0x11  }
0xc3: {  	s0 =	sor.u32 s1, s0  }
0xc4: {  	s0 =	sadd.s32 $0x8F2B, s0  }
0xc5: {  	[sflag:s0] =	ssyncadd.remote.s32 $0x1  }
0xc6: {  	_ =	sfence.sel $0xFFFF  }
0xc7: {  	[dreg:$0x0] =	wrdreg $0xFFFFFFFF;
	(pc) =	sbr.abs _section_cstart, $3  }
0xc8: {  	[dreg:$0x1] =	wrdreg $0xFFFFFFFF  }
0xc9: {  	_ =	task.clear_ibuf [dreg:s9], $0x2FFFF;
	_ =	strace $0x9FFFFFFF  }
0xca: {  	(tm) =	ssettm $0x7FFFFFFF  }
0xcb: {  	_ =	shalt  }
tec
execute0_lowered:
.L_overlay_start_1:
0x0: {  	(tag) =	ssettag $0x1  }
0x1: {  	s0 =	rddreg [dreg:$0x0]  }
0x2: {  	s1 =	rddreg [dreg:$0x1]  }
0x3: {  	s13 =	rddreg [dreg:$0x2]  }
0x4: {  	s14 =	rddreg [dreg:$0x3]  }
0x5: {  	s2 =	simm.s32 $0x0;
	s3 =	srdreg.scid;
	s17 =	stileid.u32  }
0x6: {  	s18 =	simm.s32 $0x400;
	s19 =	simm.s32 $0x4400;
	s21 =	simm.s32 $0x8400  }
0x7: {  	s28 =	simm.s32 $0x300;
	s29 =	simm.s32 $0x380;
	s30 =	simm.s32 $0x10400  }
0x8: {  	s31 =	simm.s32 $0x19400;
	[smem:$0x7FF] =	sst s2;
	s3 =	sand.u32 $0x1, s3  }
0x9: {  	s4 =	sshll.u32 s17, $0x1;
	s25 =	sshll.u32 s17, $0x3;
	s17 =	simm.s32 $0x80  }
0xa: {  	_ =	strace $0x80000047;
	s12 =	sor.u32 s3, s4;
	s23 =	ssub.s32 $0x2, s3  }
0xb: {  	s3 =	sadd.s32 $0x101600, s0;
	s5 =	sshll.u32 s12, $0xE;
	s6 =	sshrl.u32 s23, $0x1  }
0xc: {  	s16 =	sshll.u32 s12, $0x7;
	s24 =	sshll.u32 s12, $0xB;
	s0 =	sadd.s32 s5, s0  }
0xd: {  	s15 =	ssub.s32 s23, s6;
	s4 =	sadd.s32 s1, s16;
	s16 =	sor.u32 s16, s24  }
0xe: {  	s1 =	sand.u32 $0x1800, s24;
	s23 =	simm.s32 $0xC400;
	s24 =	simm.s32 $0x1  }
0xf: {  	s5 =	sadd.s32 $0x1600, s0;
	s6 =	sadd.s32 $0x1E00, s0;
	s7 =	sadd.s32 $0x2600, s0  }
0x10: {  	s8 =	sadd.s32 $0x2E00, s0;
	s9 =	sadd.s32 $0x3600, s0;
	s10 =	sadd.s32 $0x3E00, s0  }
0x11: {  	s11 =	sadd.s32 $0x4600, s0;
	s12 =	sadd.s32 $0x4E00, s0;
	s0 =	sand.u32 $0x70, s25  }
0x12: {  	v4 =	vlaneseq.u32;
	v3 =	vimm.f32 $0.0e+00;
	s16 =	sand.u32 $0xC380, s16;
	s26 =	sadd.s32 $0x800, s1;
	s15 =	smax.u32 s15, $0x1  }
0x13: {  	v5 =	vimm.f32 $1.000000000e+00;
	v2 =	vand.u32 $0x7, v4;
	s13 =	sadd.s32 s13, s0;
	s16 =	sshrl.u32 s16, $0x3;
	v1 =	vmov s26;
	s26 =	simm.s32 $0x280  }
0x14: {  	v4 =	vmul.u32 $0x800, v4;
	v2 =	vmul.u32 $0x2000, v2;
	v0 =	vmov s1;
	s0 =	simm.s32 $0x0;
	s14 =	sadd.s32 s14, s16;
	s16 =	simm.s32 $0x2  }
.LBB2_1:
0x15: {  	[tilespmem:s2], [sflag:$0x2] =	stream.linear.gather [hbm4b:s4+s2], $0x400, $0x38;
	[tilespmem:$0x19C00] =	vst v63  }
0x16: {  	_ =	swait.ge [sflag:s16], $0x400  }
0x17: {  	[sflag:s16] =	ssyncset.done $0x0  }
0x18: {  	[sflag:s16] =	ssyncadd.s32 $0xFFFFFC00  }
0x19: {  	v6 =	vld [tilespmem:$0x0]  }
0x1a: {  	v7 =	vld [tilespmem:$0x10]  }
0x1b: {  	v8 =	vld [tilespmem:$0x20]  }
0x1c: {  	v9 =	vld [tilespmem:$0x30]  }
0x1d: {  	v10 =	vld [tilespmem:$0x40]  }
0x1e: {  	v11 =	vld [tilespmem:$0x50];
	v6 =	vadd.s32 v2, v6  }
0x1f: {  	[tilespmem:$0x0] =	vst v6;
	v6 =	vadd.s32 v2, v7;
	v7 =	vld [tilespmem:$0x60]  }
0x20: {  	v18 =	vld [tilespmem:$0x70];
	[tilespmem:$0x10] =	vst v6;
	v6 =	vadd.s32 v2, v8  }
0x21: {  	v19 =	vld [tilespmem:$0x80];
	[tilespmem:$0x20] =	vst v6;
	v6 =	vadd.s32 v2, v9  }
0x22: {  	v20 =	vld [tilespmem:$0x90];
	[tilespmem:$0x30] =	vst v6;
	v6 =	vadd.s32 v2, v10  }
0x23: {  	v21 =	vld [tilespmem:$0xA0];
	[tilespmem:$0x40] =	vst v6;
	v6 =	vadd.s32 v2, v11  }
0x24: {  	[tilespmem:$0x50] =	vst v6;
	v6 =	vadd.s32 v2, v7;
	v7 =	vld [tilespmem:$0xB0]  }
0x25: {  	v22 =	vld [tilespmem:$0xC0];
	[tilespmem:$0x60] =	vst v6;
	v6 =	vadd.s32 v2, v18  }
0x26: {  	v23 =	vld [tilespmem:$0xD0];
	[tilespmem:$0x70] =	vst v6;
	v6 =	vadd.s32 v2, v19  }
0x27: {  	v24 =	vld [tilespmem:$0xE0];
	[tilespmem:$0x80] =	vst v6;
	v6 =	vadd.s32 v2, v20  }
0x28: {  	v25 =	vld [tilespmem:$0xF0];
	[tilespmem:$0x90] =	vst v6;
	v6 =	vadd.s32 v2, v21  }
0x29: {  	[tilespmem:$0xA0] =	vst v6;
	v6 =	vadd.s32 v2, v7;
	v7 =	vld [tilespmem:$0x100]  }
0x2a: {  	v26 =	vld [tilespmem:$0x110];
	[tilespmem:$0xB0] =	vst v6;
	v6 =	vadd.s32 v2, v22  }
0x2b: {  	v27 =	vld [tilespmem:$0x120];
	[tilespmem:$0xC0] =	vst v6;
	v6 =	vadd.s32 v2, v23  }
0x2c: {  	v28 =	vld [tilespmem:$0x130];
	[tilespmem:$0xD0] =	vst v6;
	v6 =	vadd.s32 v2, v24  }
0x2d: {  	v29 =	vld [tilespmem:$0x140];
	[tilespmem:$0xE0] =	vst v6;
	v6 =	vadd.s32 v2, v25  }
0x2e: {  	[tilespmem:$0xF0] =	vst v6;
	v6 =	vadd.s32 v2, v7;
	v7 =	vld [tilespmem:$0x150]  }
0x2f: {  	v30 =	vld [tilespmem:$0x160];
	[tilespmem:$0x100] =	vst v6;
	v6 =	vadd.s32 v2, v26  }
0x30: {  	v31 =	vld [tilespmem:$0x170];
	[tilespmem:$0x110] =	vst v6;
	v6 =	vadd.s32 v2, v27  }
0x31: {  	v32 =	vld [tilespmem:$0x180];
	[tilespmem:$0x120] =	vst v6;
	v6 =	vadd.s32 v2, v28  }
0x32: {  	v33 =	vld [tilespmem:$0x190];
	[tilespmem:$0x130] =	vst v6;
	v6 =	vadd.s32 v2, v29  }
0x33: {  	[tilespmem:$0x140] =	vst v6;
	v6 =	vadd.s32 v2, v7;
	v7 =	vld [tilespmem:$0x1A0]  }
0x34: {  	v34 =	vld [tilespmem:$0x1B0];
	[tilespmem:$0x150] =	vst v6;
	v6 =	vadd.s32 v2, v30  }
0x35: {  	v35 =	vld [tilespmem:$0x1C0];
	[tilespmem:$0x160] =	vst v6;
	v6 =	vadd.s32 v2, v31  }
0x36: {  	v36 =	vld [tilespmem:$0x1D0];
	[tilespmem:$0x170] =	vst v6;
	v6 =	vadd.s32 v2, v32  }
0x37: {  	v37 =	vld [tilespmem:$0x1E0];
	[tilespmem:$0x180] =	vst v6;
	v6 =	vadd.s32 v2, v33  }
0x38: {  	[tilespmem:$0x190] =	vst v6;
	v6 =	vadd.s32 v2, v7;
	v7 =	vld [tilespmem:$0x1F0]  }
0x39: {  	v38 =	vld [tilespmem:$0x200];
	[tilespmem:$0x1A0] =	vst v6;
	v6 =	vadd.s32 v2, v34  }
0x3a: {  	v39 =	vld [tilespmem:$0x210];
	[tilespmem:$0x1B0] =	vst v6;
	v6 =	vadd.s32 v2, v35  }
0x3b: {  	v40 =	vld [tilespmem:$0x220];
	[tilespmem:$0x1C0] =	vst v6;
	v6 =	vadd.s32 v2, v36  }
0x3c: {  	v41 =	vld [tilespmem:$0x230];
	[tilespmem:$0x1D0] =	vst v6;
	v6 =	vadd.s32 v2, v37  }
0x3d: {  	[tilespmem:$0x1E0] =	vst v6;
	v6 =	vadd.s32 v2, v7;
	v7 =	vld [tilespmem:$0x240]  }
0x3e: {  	v42 =	vld [tilespmem:$0x250];
	[tilespmem:$0x1F0] =	vst v6;
	v6 =	vadd.s32 v2, v38  }
0x3f: {  	v43 =	vld [tilespmem:$0x260];
	[tilespmem:$0x200] =	vst v6;
	v6 =	vadd.s32 v2, v39  }
0x40: {  	v44 =	vld [tilespmem:$0x270];
	[tilespmem:$0x210] =	vst v6;
	v6 =	vadd.s32 v2, v40  }
0x41: {  	v45 =	vld [tilespmem:$0x280];
	[tilespmem:$0x220] =	vst v6;
	v6 =	vadd.s32 v2, v41  }
0x42: {  	[tilespmem:$0x230] =	vst v6;
	v6 =	vadd.s32 v2, v7;
	v7 =	vld [tilespmem:$0x290]  }
0x43: {  	v46 =	vld [tilespmem:$0x2A0];
	[tilespmem:$0x240] =	vst v6;
	v6 =	vadd.s32 v2, v42  }
0x44: {  	v47 =	vld [tilespmem:$0x2B0];
	[tilespmem:$0x250] =	vst v6;
	v6 =	vadd.s32 v2, v43  }
0x45: {  	v48 =	vld [tilespmem:$0x2C0];
	[tilespmem:$0x260] =	vst v6;
	v6 =	vadd.s32 v2, v44  }
0x46: {  	v49 =	vld [tilespmem:$0x2D0];
	[tilespmem:$0x270] =	vst v6;
	v6 =	vadd.s32 v2, v45  }
0x47: {  	[tilespmem:$0x280] =	vst v6;
	v6 =	vadd.s32 v2, v7;
	v7 =	vld [tilespmem:$0x2E0]  }
0x48: {  	v50 =	vld [tilespmem:$0x2F0];
	[tilespmem:$0x290] =	vst v6;
	v6 =	vadd.s32 v2, v46  }
0x49: {  	v51 =	vld [tilespmem:$0x300];
	[tilespmem:$0x2A0] =	vst v6;
	v6 =	vadd.s32 v2, v47  }
0x4a: {  	v52 =	vld [tilespmem:$0x310];
	[tilespmem:$0x2B0] =	vst v6;
	v6 =	vadd.s32 v2, v48  }
0x4b: {  	v53 =	vld [tilespmem:$0x320];
	[tilespmem:$0x2C0] =	vst v6;
	v6 =	vadd.s32 v2, v49  }
0x4c: {  	[tilespmem:$0x2D0] =	vst v6;
	v6 =	vadd.s32 v2, v7;
	v7 =	vld [tilespmem:$0x330]  }
0x4d: {  	v54 =	vld [tilespmem:$0x340];
	[tilespmem:$0x2E0] =	vst v6;
	v6 =	vadd.s32 v2, v50  }
0x4e: {  	v55 =	vld [tilespmem:$0x350];
	[tilespmem:$0x2F0] =	vst v6;
	v6 =	vadd.s32 v2, v51  }
0x4f: {  	v56 =	vld [tilespmem:$0x360];
	[tilespmem:$0x300] =	vst v6;
	v6 =	vadd.s32 v2, v52  }
0x50: {  	v57 =	vld [tilespmem:$0x370];
	[tilespmem:$0x310] =	vst v6;
	v6 =	vadd.s32 v2, v53  }
0x51: {  	[tilespmem:$0x320] =	vst v6;
	v6 =	vadd.s32 v2, v7;
	v7 =	vld [tilespmem:$0x380]  }
0x52: {  	v58 =	vld [tilespmem:$0x390];
	[tilespmem:$0x330] =	vst v6;
	v6 =	vadd.s32 v2, v54  }
0x53: {  	v59 =	vld [tilespmem:$0x3A0];
	[tilespmem:$0x340] =	vst v6;
	v6 =	vadd.s32 v2, v55  }
0x54: {  	v60 =	vld [tilespmem:$0x3B0];
	[tilespmem:$0x350] =	vst v6;
	v6 =	vadd.s32 v2, v56  }
0x55: {  	v61 =	vld [tilespmem:$0x3C0];
	[tilespmem:$0x360] =	vst v6;
	v6 =	vadd.s32 v2, v57  }
0x56: {  	[tilespmem:$0x370] =	vst v6;
	v6 =	vadd.s32 v2, v7;
	v7 =	vld [tilespmem:$0x3D0]  }
0x57: {  	v62 =	vld [tilespmem:$0x3E0];
	[tilespmem:$0x380] =	vst v6;
	v6 =	vadd.s32 v2, v58  }
0x58: {  	v63 =	vld [tilespmem:$0x3F0];
	[tilespmem:$0x390] =	vst v6;
	v6 =	vadd.s32 v2, v59  }
0x59: {  	[tilespmem:$0x3A0] =	vst v6;
	v6 =	vadd.s32 v2, v60  }
0x5a: {  	[tilespmem:$0x3B0] =	vst v6;
	v6 =	vadd.s32 v2, v61  }
0x5b: {  	[tilespmem:$0x3C0] =	vst v6;
	v6 =	vadd.s32 v2, v7  }
0x5c: {  	[tilespmem:$0x3D0] =	vst v6;
	v6 =	vadd.s32 v2, v62  }
0x5d: {  	[tilespmem:$0x3E0] =	vst v6;
	v6 =	vadd.s32 v2, v63  }
0x5e: {  	[tilespmem:$0x3F0] =	vst v6  }
0x5f: {  	[tilespmem:s18], [sflag:$0x1] =	stream.indirect.gather [hbm4b:s3+s17], $0x80, s2, s17, $0xb8;
	[tilespmem:$0x19C00] =	vst v63  }
0x60: {  	_ = 	snop  }
0x61: {  	[tilespmem:s19], [sflag:$0x1] =	stream.indirect.gather [hbm4b:s3+s17], $0x80, s17, s17, $0xb8;
	[tilespmem:$0x19C00] =	vst v63  }
0x62: {  	s1 =	simm.s32 $0x100  }
0x63: {  	[tilespmem:s21], [sflag:$0x1] =	stream.indirect.gather [hbm4b:s3+s17], $0x80, s1, s17, $0xb8;
	[tilespmem:$0x19C00] =	vst v63  }
0x64: {  	s22 =	simm.s32 $0x180  }
0x65: {  	[tilespmem:s23], [sflag:$0x1] =	stream.indirect.gather [hbm4b:s3+s17], $0x80, s22, s17, $0xb8;
	[tilespmem:$0x19C00] =	vst v63  }
0x66: {  	_ =	swait.ge [sflag:s24], $0x4000  }
0x67: {  	[sflag:s24] =	ssyncset.done $0x0  }
0x68: {  	[sflag:s24] =	ssyncadd.s32 $0xFFFFC000  }
0x69: {  	_ =	swait.ge [sflag:s24], $0x4000  }
0x6a: {  	[sflag:s24] =	ssyncset.done $0x0  }
0x6b: {  	[sflag:s24] =	ssyncadd.s32 $0xFFFFC000  }
0x6c: {  	_ =	swait.ge [sflag:s24], $0x4000  }
0x6d: {  	[sflag:s24] =	ssyncset.done $0x0  }
0x6e: {  	[sflag:s24] =	ssyncadd.s32 $0xFFFFC000  }
0x6f: {  	_ =	swait.ge [sflag:s24], $0x4000  }
0x70: {  	[sflag:s24] =	ssyncset.done $0x0  }
0x71: {  	[sflag:s24] =	ssyncadd.s32 $0xFFFFC000  }
0x72: {  	[hbm4b:s5+s2] =	stream.linear.scatter [tilespmem:s18], [sflag:$0x2], $0x4000, $0x38;
	[tilespmem:$0x19C00] =	vst v63  }
0x73: {  	_ =	swait.ge [sflag:s16], $0x4000  }
0x74: {  	[sflag:s16] =	ssyncset.done $0x0  }
0x75: {  	[sflag:s16] =	ssyncadd.s32 $0xFFFFC000  }
0x76: {  	[hbm4b:s6+s2] =	stream.linear.scatter [tilespmem:s19], [sflag:$0x2], $0x4000, $0x38;
	[tilespmem:$0x19C00] =	vst v63  }
0x77: {  	_ =	swait.ge [sflag:s16], $0x4000  }
0x78: {  	[sflag:s16] =	ssyncset.done $0x0  }
0x79: {  	[sflag:s16] =	ssyncadd.s32 $0xFFFFC000  }
0x7a: {  	[hbm4b:s7+s2] =	stream.linear.scatter [tilespmem:s21], [sflag:$0x2], $0x4000, $0x38;
	[tilespmem:$0x19C00] =	vst v63  }
0x7b: {  	_ =	swait.ge [sflag:s16], $0x4000  }
0x7c: {  	[sflag:s16] =	ssyncset.done $0x0  }
0x7d: {  	[sflag:s16] =	ssyncadd.s32 $0xFFFFC000  }
0x7e: {  	[hbm4b:s8+s2] =	stream.linear.scatter [tilespmem:s23], [sflag:$0x2], $0x4000, $0x38;
	[tilespmem:$0x19C00] =	vst v63  }
0x7f: {  	_ =	swait.ge [sflag:s16], $0x4000  }
0x80: {  	[sflag:s16] =	ssyncset.done $0x0  }
0x81: {  	s25 =	simm.s32 $0x200;
	[sflag:s16] =	ssyncadd.s32 $0xFFFFC000  }
0x82: {  	[tilespmem:s18], [sflag:$0x1] =	stream.indirect.gather [hbm4b:s3+s17], $0x80, s25, s17, $0xb8;
	[tilespmem:$0x19C00] =	vst v63  }
0x83: {  	_ = 	snop  }
0x84: {  	[tilespmem:s19], [sflag:$0x1] =	stream.indirect.gather [hbm4b:s3+s17], $0x80, s26, s17, $0xb8;
	[tilespmem:$0x19C00] =	vst v63  }
0x85: {  	_ = 	snop  }
0x86: {  	[tilespmem:s21], [sflag:$0x1] =	stream.indirect.gather [hbm4b:s3+s17], $0x80, s28, s17, $0xb8;
	[tilespmem:$0x19C00] =	vst v63  }
0x87: {  	_ = 	snop  }
0x88: {  	[tilespmem:s23], [sflag:$0x1] =	stream.indirect.gather [hbm4b:s3+s17], $0x80, s29, s17, $0xb8;
	[tilespmem:$0x19C00] =	vst v63  }
0x89: {  	_ =	swait.ge [sflag:s24], $0x4000  }
0x8a: {  	[sflag:s24] =	ssyncset.done $0x0  }
0x8b: {  	[sflag:s24] =	ssyncadd.s32 $0xFFFFC000  }
0x8c: {  	_ =	swait.ge [sflag:s24], $0x4000  }
0x8d: {  	[sflag:s24] =	ssyncset.done $0x0  }
0x8e: {  	[sflag:s24] =	ssyncadd.s32 $0xFFFFC000  }
0x8f: {  	_ =	swait.ge [sflag:s24], $0x4000  }
0x90: {  	[sflag:s24] =	ssyncset.done $0x0  }
0x91: {  	[sflag:s24] =	ssyncadd.s32 $0xFFFFC000  }
0x92: {  	_ =	swait.ge [sflag:s24], $0x4000  }
0x93: {  	[sflag:s24] =	ssyncset.done $0x0  }
0x94: {  	[sflag:s24] =	ssyncadd.s32 $0xFFFFC000  }
0x95: {  	[hbm4b:s9+s2] =	stream.linear.scatter [tilespmem:s18], [sflag:$0x2], $0x4000, $0x38;
	[tilespmem:$0x19C00] =	vst v63  }
0x96: {  	_ =	swait.ge [sflag:s16], $0x4000  }
0x97: {  	[sflag:s16] =	ssyncset.done $0x0  }
0x98: {  	[sflag:s16] =	ssyncadd.s32 $0xFFFFC000  }
0x99: {  	[hbm4b:s10+s2] =	stream.linear.scatter [tilespmem:s19], [sflag:$0x2], $0x4000, $0x38;
	[tilespmem:$0x19C00] =	vst v63  }
0x9a: {  	_ =	swait.ge [sflag:s16], $0x4000  }
0x9b: {  	[sflag:s16] =	ssyncset.done $0x0  }
0x9c: {  	[sflag:s16] =	ssyncadd.s32 $0xFFFFC000  }
0x9d: {  	[hbm4b:s11+s2] =	stream.linear.scatter [tilespmem:s21], [sflag:$0x2], $0x4000, $0x38;
	[tilespmem:$0x19C00] =	vst v63  }
0x9e: {  	_ =	swait.ge [sflag:s16], $0x4000  }
0x9f: {  	[sflag:s16] =	ssyncset.done $0x0  }
0xa0: {  	[sflag:s16] =	ssyncadd.s32 $0xFFFFC000  }
0xa1: {  	[hbm4b:s12+s2] =	stream.linear.scatter [tilespmem:s23], [sflag:$0x2], $0x4000, $0x38;
	[tilespmem:$0x19C00] =	vst v63  }
0xa2: {  	_ =	swait.ge [sflag:s16], $0x4000  }
0xa3: {  	[sflag:s16] =	ssyncset.done $0x0  }
0xa4: {  	[sflag:s16] =	ssyncadd.s32 $0xFFFFC000  }
0xa5: {  	[tilespmem:s30], [sflag:$0x2] =	stream.strided.gather [hbm4b:s13+s17], $0x1000, s18, s17, $0x38;
	[tilespmem:$0x19C00] =	vst v63  }
0xa6: {  	_ =	swait.ge [sflag:s16], $0x1000  }
0xa7: {  	[sflag:s16] =	ssyncset.done $0x0  }
0xa8: {  	s20 =	simm.s32 $0x0;
	s1 =	simm.s32 $0x40;
	[sflag:s16] =	ssyncadd.s32 $0xFFFFF000  }
.LBB2_2:
0xa9: {  	p0 =	sne.s32 s1, $0x1FFC0;
	[tilespmem:s20+$0x11400] =	vst v3;
	s20 =	smov.u32 s1;
	s1 =	sadd.s32 $0x40, s1  }
.Ltmp0:
0xaa: {  	(pc) =	sbr.rel @p0 .LBB2_2-.Ltmp0, $2  }
0xab: {  	_ =	sdelay $0x2  }
0xac: {  	s20 =	sshra.s32 s20, $0x2  }
0xad: {  	[tilespmem:s20+$0x11400] =	vst v3;
	s1 =	simm.s32 $0x0;
	s20 =	simm.s32 $0x0  }
.LBB2_4:
0xae: {  	s22 =	sshra.s32 s20, $0x2  }
0xaf: {  	v6 =	vld [tilespmem:s22+$0x10400];
	_ =	sdelay $0x4  }
0xb0: {  	v7 =	vsub.s32 v6, v0  }
0xb1: {  	vm0 =	vgt.s32 v7, $0x0  }
0xb2: {  	vm15 =	vge.s32 v6, v0;
	vm1 =	vlt.s32 v6, v1;
	v7 =	vnsel vm0, $0x0, v7  }
0xb3: {  	vm0 =	vmand vm15, vm1;
	v6 =	vmin.u32 v7, $0x7FF  }
0xb4: {  	p0 =	sne.s32 s20, $0x3FC0;
	v6 =	vor.u32 v4, v6  }
.Ltmp1:
0xb5: {  	_ = 	snop;
	(pc) =	sbr.rel @p0 .LBB2_4-.Ltmp1, $3  }
0xb6: {  	_ =	sdelay $0x1  }
0xb7: {  	s22 =	simm.s32 $0x11400  }
0xb8: {  	s20 =	sadd.s32 $0x40, s20;
	[tilespmem:v6+s22+$0x0] =	vst.idx.add.f32.msk vm0, v5  }
0xb9: {  	s1 =	sand.u32 $0x7F0, s1;
	v7 =	vld [tilespmem:s22+$0x0]  }
0xba: {  	v6 =	vld [tilespmem:s1+$0x11C00];
	_ =	sdelay $0x1  }
0xbb: {  	v8 =	vld [tilespmem:s1+$0x12400];
	_ =	sdelay $0x1  }
0xbc: {  	v9 =	vld [tilespmem:s1+$0x12C00]  }
0xbd: {  	v6 =	vadd.f32 v6, v7  }
0xbe: {  	v7 =	vld [tilespmem:s1+$0x13400]  }
0xbf: {  	v6 =	vadd.f32 v8, v6  }
0xc0: {  	v8 =	vld [tilespmem:s1+$0x13C00]  }
0xc1: {  	v6 =	vadd.f32 v9, v6  }
0xc2: {  	v60 =	vld [tilespmem:s1+$0x14400]  }
0xc3: {  	v6 =	vadd.f32 v7, v6  }
0xc4: {  	v7 =	vld [tilespmem:s1+$0x14C00]  }
0xc5: {  	v6 =	vadd.f32 v8, v6  }
0xc6: {  	v8 =	vld [tilespmem:s1+$0x15400]  }
0xc7: {  	v6 =	vadd.f32 v60, v6  }
0xc8: {  	v61 =	vld [tilespmem:s1+$0x15C00]  }
0xc9: {  	v6 =	vadd.f32 v7, v6  }
0xca: {  	v7 =	vld [tilespmem:s1+$0x16400]  }
0xcb: {  	v6 =	vadd.f32 v8, v6  }
0xcc: {  	v8 =	vld [tilespmem:s1+$0x16C00]  }
0xcd: {  	v6 =	vadd.f32 v61, v6  }
0xce: {  	v62 =	vld [tilespmem:s1+$0x17400]  }
0xcf: {  	v6 =	vadd.f32 v7, v6  }
0xd0: {  	v7 =	vld [tilespmem:s1+$0x17C00]  }
0xd1: {  	v6 =	vadd.f32 v8, v6  }
0xd2: {  	v8 =	vld [tilespmem:s1+$0x18400]  }
0xd3: {  	v6 =	vadd.f32 v62, v6  }
0xd4: {  	v63 =	vld [tilespmem:s1+$0x18C00]  }
0xd5: {  	v6 =	vadd.f32 v7, v6;
	_ =	sdelay $0x1  }
0xd6: {  	v6 =	vadd.f32 v8, v6;
	_ =	sdelay $0x1  }
0xd7: {  	v6 =	vadd.f32 v63, v6  }
0xd8: {  	s20 =	simm.s32 $0x10;
	s1 =	simm.s32 $0x19400  }
0xd9: {  	s20 =	sand.u32 $0x7F0, s20;
	[tilespmem:s1+$0x0] =	vst v6  }
0xda: {  	s25 =	simm.s32 $0x20;
	s22 =	simm.s32 $0x11410;
	v6 =	vld [tilespmem:s20+$0x11C00]  }
.LBB2_6:
0xdb: {  	p0 =	sne.s32 s25, $0x7F0;
	v7 =	vld [tilespmem:s22+$0x0];
	_ =	sdelay $0x1  }
0xdc: {  	v8 =	vld [tilespmem:s20+$0x12400];
	_ =	sdelay $0x1  }
0xdd: {  	v9 =	vld [tilespmem:s20+$0x12C00]  }
0xde: {  	v6 =	vadd.f32 v6, v7  }
0xdf: {  	v7 =	vld [tilespmem:s20+$0x13400]  }
0xe0: {  	v6 =	vadd.f32 v8, v6  }
0xe1: {  	v8 =	vld [tilespmem:s20+$0x13C00]  }
0xe2: {  	v6 =	vadd.f32 v9, v6  }
0xe3: {  	v9 =	vld [tilespmem:s20+$0x14400]  }
0xe4: {  	v6 =	vadd.f32 v7, v6  }
0xe5: {  	v7 =	vld [tilespmem:s20+$0x14C00]  }
0xe6: {  	v6 =	vadd.f32 v8, v6  }
0xe7: {  	v8 =	vld [tilespmem:s20+$0x15400]  }
0xe8: {  	v6 =	vadd.f32 v9, v6  }
0xe9: {  	v9 =	vld [tilespmem:s20+$0x15C00]  }
0xea: {  	v6 =	vadd.f32 v7, v6  }
0xeb: {  	v7 =	vld [tilespmem:s20+$0x16400]  }
0xec: {  	v6 =	vadd.f32 v8, v6  }
0xed: {  	v8 =	vld [tilespmem:s20+$0x16C00]  }
0xee: {  	v6 =	vadd.f32 v9, v6  }
0xef: {  	v9 =	vld [tilespmem:s20+$0x17400]  }
0xf0: {  	v6 =	vadd.f32 v7, v6  }
0xf1: {  	v7 =	vld [tilespmem:s20+$0x17C00]  }
0xf2: {  	v6 =	vadd.f32 v8, v6  }
0xf3: {  	v8 =	vld [tilespmem:s20+$0x18400]  }
0xf4: {  	v6 =	vadd.f32 v9, v6  }
0xf5: {  	v9 =	vld [tilespmem:s20+$0x18C00]  }
0xf6: {  	v6 =	vadd.f32 v7, v6;
	_ =	sdelay $0x1  }
0xf7: {  	v6 =	vadd.f32 v8, v6  }
.Ltmp2:
0xf8: {  	(pc) =	sbr.rel @p0 .LBB2_6-.Ltmp2, $4  }
0xf9: {  	v6 =	vadd.f32 v9, v6  }
0xfa: {  	s1 =	sadd.s32 $0x10, s1  }
0xfb: {  	s20 =	sand.u32 $0x7F0, s25;
	[tilespmem:s1+$0x0] =	vst v6  }
0xfc: {  	s22 =	sadd.s32 $0x10, s22;
	s25 =	sadd.s32 $0x10, s25;
	v6 =	vld [tilespmem:s20+$0x11C00]  }
0xfd: {  	v7 =	vld [tilespmem:s22+$0x0];
	_ =	sdelay $0x1  }
0xfe: {  	v8 =	vld [tilespmem:s20+$0x12400];
	_ =	sdelay $0x1  }
0xff: {  	v9 =	vld [tilespmem:s20+$0x12C00]  }
0x100: {  	v6 =	vadd.f32 v6, v7  }
0x101: {  	v7 =	vld [tilespmem:s20+$0x13400]  }
0x102: {  	v6 =	vadd.f32 v8, v6  }
0x103: {  	v56 =	vld [tilespmem:s20+$0x13C00]  }
0x104: {  	v6 =	vadd.f32 v9, v6  }
0x105: {  	v57 =	vld [tilespmem:s20+$0x14400]  }
0x106: {  	v6 =	vadd.f32 v7, v6  }
0x107: {  	v7 =	vld [tilespmem:s20+$0x14C00]  }
0x108: {  	v6 =	vadd.f32 v56, v6  }
0x109: {  	v58 =	vld [tilespmem:s20+$0x15400]  }
0x10a: {  	v6 =	vadd.f32 v57, v6  }
0x10b: {  	v59 =	vld [tilespmem:s20+$0x15C00]  }
0x10c: {  	v6 =	vadd.f32 v7, v6  }
0x10d: {  	v7 =	vld [tilespmem:s20+$0x16400]  }
0x10e: {  	v6 =	vadd.f32 v58, v6  }
0x10f: {  	v60 =	vld [tilespmem:s20+$0x16C00]  }
0x110: {  	v6 =	vadd.f32 v59, v6  }
0x111: {  	v61 =	vld [tilespmem:s20+$0x17400]  }
0x112: {  	v6 =	vadd.f32 v7, v6  }
0x113: {  	v7 =	vld [tilespmem:s20+$0x17C00]  }
0x114: {  	v6 =	vadd.f32 v60, v6  }
0x115: {  	v62 =	vld [tilespmem:s20+$0x18400]  }
0x116: {  	v6 =	vadd.f32 v61, v6  }
0x117: {  	v63 =	vld [tilespmem:s20+$0x18C00]  }
0x118: {  	v6 =	vadd.f32 v7, v6;
	_ =	sdelay $0x1  }
0x119: {  	v6 =	vadd.f32 v62, v6;
	_ =	sdelay $0x1  }
0x11a: {  	s0 =	sadd.s32 $0x1, s0;
	v6 =	vadd.f32 v63, v6  }
0x11b: {  	s1 =	sadd.s32 $0x10, s1;
	p0 =	sne.s32 s0, s15  }
.Ltmp3:
0x11c: {  	[tilespmem:s1+$0x0] =	vst v6;
	(pc) =	sbr.rel @p0 .LBB2_1-.Ltmp3, $4  }
0x11d: {  	[hbm4b:s14+s17] =	stream.strided.scatter [tilespmem:s31], [sflag:$0x2], $0x800, s18, s17, $0x38;
	[tilespmem:$0x19C00] =	vst v63  }
0x11e: {  	_ =	swait.ge [sflag:s16], $0x800  }
0x11f: {  	[sflag:s16] =	ssyncset.done $0x0  }
0x120: {  	[sflag:s16] =	ssyncadd.s32 $0xFFFFF800  }
0x121: {  	_ =	sfence.sel $0x180000  }
0x122: {  	[bflag:$0x0] =	sbarrier.arrive $0xFFFF  }
0x123: {  	_ =	strace $0x90000047  }
0x124: {  	s0 =	stileid.u32;
	[bflag:$0x2] =	sbarrier.arrive $0xFFFF  }
0x125: {  	p0 =	sne.s32 s0, $0x0;
	s0 =	rddreg [dreg:$0x4]  }
0x126: {  	s0 =	sadd.s32 @!p0 $0x100000, s0  }
0x127: {  	[sflag:s0] =	ssyncadd.tile.s32 @!p0 $0x1;
	_ =	shalt  }
.Lfunc_end2:
_tile_overlayer_lowered:
.L_overlay_start_2:
0x128: {  	(tag) =	ssettag $0x2  }
0x129: {  	s0 =	rddreg [dreg:$0x0];
	s2 =	stileid.u32  }
0x12a: {  	s1 =	rddreg [dreg:$0x1];
	p0 =	sne.s32 s2, $0x0  }
0x12b: {  	s3 =	rddreg [dreg:$0x2];
	[bflag:$0x3] =	sbarrier.arrive $0xFFFF;
	s2 =	simm.s32 @!p0 $0x1C02  }
0x12c: {  	[timem:s3], [sflag:s2] =	dma.local @!p0 [hbm:s0], s1  }
0x12d: {  	s0 =	simm.s32 @!p0 $0x2  }
0x12e: {  	_ =	swait.ge @!p0 [sflag:s0], s1  }
0x12f: {  	s1 =	ssub.s32 @!p0 $0x0, s1;
	[sflag:s0] =	ssyncset.done @!p0 $0x0  }
0x130: {  	[sflag:s0] =	ssyncadd.s32 @!p0 s1  }
0x131: {  	[bflag:$0x3] =	sbarrier.arrive $0xFFFF  }
0x132: {  	_ =	shalt  }

</sc_bundles>
